<compile_context>
chip_gen: v7x
topology: tpu7x:2x2x1
jax: 0.10.2.dev20260603
libtpu: 0.0.44.dev20260713+nightly
codegen_flags: <defaults>
</compile_context>

<pallas_src>
import functools

import jax
import jax.numpy as jnp
from jax import lax
from jax.experimental import pallas as pl
from jax.experimental.pallas import tpu as pltpu
from jax.experimental.pallas import tpu_sc as plsc

_NBUF = 4
_LANES = 128
_CB = 2048


@functools.lru_cache(maxsize=None)
def _build_relayout(vocab: int, d: int):
    grid = -(-vocab // _CB)
    n_rows = grid * _CB

    def body(et_ref, out_ref):
        out_ref[:, 0:d] = jnp.transpose(et_ref[...])

    def call(et):
        return pl.pallas_call(
            body,
            grid=(grid,),
            in_specs=[pl.BlockSpec((d, _CB), lambda g: (0, g))],
            out_specs=pl.BlockSpec((_CB, _LANES), lambda g: (g, 0)),
            out_shape=jax.ShapeDtypeStruct((n_rows, _LANES), jnp.float32),
        )(et)

    return call


def _pick_chunk(bpw: int, d: int) -> int:
    budget = 490_000
    best = 8
    for c in range(8, bpw + 1, 8):
        if bpw % c:
            continue
        if _NBUF * (c * 4 + c * d * 4) <= budget:
            best = c
    return best


@functools.lru_cache(maxsize=None)
def _build_gather(batch: int, hist: int, n_tab: int, d: int):
    info = plsc.get_sparse_core_info()
    nw = info.num_cores * info.num_subcores
    nc = info.num_cores
    assert batch % nw == 0
    bpw = batch // nw
    chunk = _pick_chunk(bpw, d)
    cph = bpw // chunk
    nchunk = hist * cph

    mesh = plsc.VectorSubcoreMesh(core_axis_name="c", subcore_axis_name="s")

    @functools.partial(
        pl.kernel,
        out_type=jax.ShapeDtypeStruct((hist, batch, d), jnp.float32),
        mesh=mesh,
        scratch_types=[
            pltpu.VMEM((_NBUF, chunk), jnp.int32),
            pltpu.VMEM((_NBUF, chunk, d), jnp.float32),
            pltpu.SemaphoreType.DMA((_NBUF,)),
            pltpu.SemaphoreType.DMA((_NBUF,)),
        ],
        compiler_params=pltpu.CompilerParams(use_tc_tiling_on_sc=False),
    )
    def gather_kernel(idx_hbm, table_hbm, out_hbm, idx_v, rows_v, gsem, ssem):
        wid = lax.axis_index("s") * nc + lax.axis_index("c")
        b_base = wid * bpw

        def load_idx(g, b):
            h = g // cph
            off = h * batch + b_base + (g % cph) * chunk
            pltpu.sync_copy(idx_hbm.at[pl.ds(off, chunk)], idx_v.at[b])

        def gather_copy(b):
            return pltpu.make_async_copy(table_hbm.at[idx_v.at[b]],
                                         rows_v.at[b], gsem.at[b])

        def store_copy(g, b):
            h = g // cph
            b0 = b_base + (g % cph) * chunk
            return pltpu.make_async_copy(
                rows_v.at[b],
                out_hbm.at[h, pl.ds(b0, chunk)], ssem.at[b])

        def body(g, carry):
            b = lax.rem(g, _NBUF)

            @pl.when(g >= _NBUF)
            def _():
                store_copy(g - _NBUF, b).wait()

            load_idx(g, b)
            gather_copy(b).start()

            @pl.when(g >= 2)
            def _():
                b2 = lax.rem(g - 2, _NBUF)
                gather_copy(b2).wait()
                store_copy(g - 2, b2).start()

            return carry

        lax.fori_loop(0, nchunk, body, 0)

        for g in range(nchunk - 2, nchunk):
            b = g % _NBUF
            gather_copy(b).wait()
            store_copy(g, b).start()
        for g in range(nchunk - _NBUF, nchunk):
            store_copy(g, g % _NBUF).wait()

    return gather_kernel


def kernel(x_tensor, E):
    batch, hist = x_tensor.shape
    vocab, d = E.shape
    flat_idx = x_tensor.T.reshape(-1)
    staged = _build_relayout(vocab, d)(E.T)
    ratio = _LANES // d
    table = staged.reshape(staged.shape[0] * ratio, d)
    out = _build_gather(batch, hist, table.shape[0], d)(
        flat_idx * ratio, table)
    return out.transpose(1, 0, 2)

# --- scband reference (transcript-rebuilt; emitter-appended) ---
"""Pipeline reference for scband-tree-embedding-layer-31439160606823 (READ-ONLY COPY).

The authoritative reference and input builder live on the scoring server;
editing this copy changes nothing except your own understanding.
"""

import jax, jax.numpy as jnp
import numpy as np

VOCAB = 1000000
DIM_E = 64
BATCH = 16384
HIST = 50

def setup_inputs(seed: int = 0) -> dict:
    key = jax.random.key(seed)
    k1, k2 = jax.random.split(key)
    x_tensor = jax.random.randint(k1, (BATCH, HIST), 0, VOCAB, dtype=jnp.int64 if jax.config.jax_enable_x64 else jnp.int32).astype(jnp.int32)
    E = jax.random.uniform(k2, (VOCAB, DIM_E), dtype=jnp.float32, minval=-0.05, maxval=0.05)
    return {"x_tensor": x_tensor, "E": E}

def reference(x_tensor, E):
    # Original: for each sequence in the list, gather E[idx.flatten()], concat all,
    # then split back by lengths. With equal-length rows this is a flat gather + reshape.
    flat_idx = x_tensor.reshape(-1)
    ex = jnp.take(E, flat_idx, axis=0)
    exs = ex.reshape(x_tensor.shape[0], x_tensor.shape[1], E.shape[1])
    return exs

if __name__ == "__main__":
    import jax
    _d = setup_inputs()
    print(jax.jit(kernel)(*tuple(_d.values())))

</pallas_src>

<mosaic_0001>
#map = affine_map<(d0, d1) -> (0)>
#map1 = affine_map<(d0, d1) -> (0, 0)>
#map2 = affine_map<(d0, d1) -> (0, 0, 0)>
module attributes {stable_mosaic.version = 14 : i64} {
  func.func @gather_kernel(%arg0: i32, %arg1: i32, %arg2: memref<819200xi32, #tpu.memory_space<hbm>>, %arg3: memref<2002944x64xf32, #tpu.memory_space<hbm>>, %arg4: memref<50x16384x64xf32, #tpu.memory_space<hbm>>, %arg5: memref<4x256xi32, #tpu.memory_space<vmem>>, %arg6: memref<4x256x64xf32, #tpu.memory_space<vmem>>, %arg7: memref<4x!tpu.dma_semaphore, #tpu.memory_space<semaphore_mem>>, %arg8: memref<4x!tpu.dma_semaphore, #tpu.memory_space<semaphore_mem>>) attributes {dimension_semantics = [#tpu.dimension_semantics<core_parallel>, #tpu.dimension_semantics<subcore_parallel>], iteration_bounds = array<i64: 2, 16>, scalar_prefetch = 0 : i64, scratch_operands = 4 : i64, tpu.core_type = #tpu.core_type<sc_vector_subcore>, window_params = [{transform_indices = #map}, {transform_indices = #map1}, {transform_indices = #map2}]} {
    %mul3A = arith.constant 2 : i32
    %mul3A_0 = arith.muli %arg1, %mul3A : i32
    %add3A = arith.addi %mul3A_0, %arg0 : i32
    %mul3A_1 = arith.constant 512 : i32
    %mul3A_2 = arith.muli %add3A, %mul3A_1 : i32
    %scan3A = arith.constant 0 : i32
    %scan3A_3 = arith.constant 0 : i32
    %scan3A_4 = arith.constant 100 : i32
    %scan3A_5 = arith.addi %scan3A_3, %scan3A_4 : i32
    %scan3A_6 = arith.constant 1 : i32
    scf.for %scan3A_162 = %scan3A_3 to %scan3A_5 step %scan3A_6  : i32 {
      %rem3A = arith.constant 4 : i32
      %rem3A_163 = arith.remsi %scan3A_162, %rem3A : i32
      %ge3A = arith.constant 4 : i32
      %ge3A_164 = arith.cmpi sge, %scan3A_162, %ge3A : i32
      %convert_element_type3A = arith.extui %ge3A_164 : i1 to i32
      %cond3A = arith.constant 0 : i32
      %cond3A_165 = arith.cmpi ne, %convert_element_type3A, %cond3A : i32
      scf.if %cond3A_165 {
        %sub3A_220 = arith.constant 4 : i32
        %sub3A_221 = arith.subi %scan3A_162, %sub3A_220 : i32
        %jit3A_222 = arith.constant 2 : i32
        %div3A_223 = arith.divsi %sub3A_221, %jit3A_222 : i32
        %sign3A_224 = arith.constant 0 : i32
        %sign3A_225 = arith.cmpi sgt, %sub3A_221, %sign3A_224 : i32
        %sign3A_226 = arith.extui %sign3A_225 : i1 to i32
        %sign3A_227 = arith.constant 0 : i32
        %sign3A_228 = arith.cmpi slt, %sub3A_221, %sign3A_227 : i32
        %sign3A_229 = arith.extui %sign3A_228 : i1 to i32
        %sign3A_230 = arith.subi %sign3A_226, %sign3A_229 : i32
        %sign3A_231 = arith.constant 0 : i32
        %sign3A_232 = arith.cmpi sgt, %jit3A_222, %sign3A_231 : i32
        %sign3A_233 = arith.extui %sign3A_232 : i1 to i32
        %sign3A_234 = arith.constant 0 : i32
        %sign3A_235 = arith.cmpi slt, %jit3A_222, %sign3A_234 : i32
        %sign3A_236 = arith.extui %sign3A_235 : i1 to i32
        %sign3A_237 = arith.subi %sign3A_233, %sign3A_236 : i32
        %ne3A_238 = arith.cmpi ne, %sign3A_230, %sign3A_237 : i32
        %rem3A_239 = arith.remsi %sub3A_221, %jit3A_222 : i32
        %ne3A_240 = arith.constant 0 : i32
        %ne3A_241 = arith.cmpi ne, %rem3A_239, %ne3A_240 : i32
        %and3A_242 = arith.andi %ne3A_238, %ne3A_241 : i1
        %sub3A_243 = arith.constant 1 : i32
        %sub3A_244 = arith.subi %div3A_223, %sub3A_243 : i32
        %select_n3A_245 = arith.select %and3A_242, %sub3A_244, %div3A_223 : i32
        %jit3A_246 = arith.constant 2 : i32
        %eq3A_247 = arith.constant 0 : i32
        %eq3A_248 = arith.cmpi eq, %jit3A_246, %eq3A_247 : i32
        %jit3A_249 = arith.constant 1 : i32
        %select_n3A_250 = arith.select %eq3A_248, %jit3A_249, %jit3A_246 : i32
        %rem3A_251 = arith.remsi %sub3A_221, %select_n3A_250 : i32
        %ne3A_252 = arith.constant 0 : i32
        %ne3A_253 = arith.cmpi ne, %rem3A_251, %ne3A_252 : i32
        %lt3A_254 = arith.constant 0 : i32
        %lt3A_255 = arith.cmpi slt, %rem3A_251, %lt3A_254 : i32
        %lt3A_256 = arith.constant 0 : i32
        %lt3A_257 = arith.cmpi slt, %select_n3A_250, %lt3A_256 : i32
        %ne3A_258 = arith.xori %lt3A_255, %lt3A_257 : i1
        %and3A_259 = arith.andi %ne3A_258, %ne3A_253 : i1
        %add3A_260 = arith.addi %rem3A_251, %select_n3A_250 : i32
        %select_n3A_261 = arith.select %and3A_259, %add3A_260, %rem3A_251 : i32
        %mul3A_262 = arith.constant 256 : i32
        %mul3A_263 = arith.muli %select_n3A_261, %mul3A_262 : i32
        %add3A_264 = arith.addi %mul3A_2, %mul3A_263 : i32
        %dma_wait3A_265 = arith.constant 0 : i32
        %dma_wait3A_266 = arith.constant 0 : i32
        %dma_wait3A_267 = tpu.memref_slice %arg6[%rem3A_163, %dma_wait3A_265, %dma_wait3A_266] : memref<4x256x64xf32, #tpu.memory_space<vmem>> -> memref<1x256x64xf32, #tpu.memory_space<vmem>>
        %dma_wait3A_268 = tpu.memref_squeeze %dma_wait3A_267 : memref<1x256x64xf32, #tpu.memory_space<vmem>> -> memref<256x64xf32, #tpu.memory_space<vmem>>
        %dma_wait3A_269 = arith.constant 0 : i32
        %dma_wait3A_270 = tpu.memref_slice %arg4[%select_n3A_245, %add3A_264, %dma_wait3A_269] : memref<50x16384x64xf32, #tpu.memory_space<hbm>> -> memref<1x256x64xf32, #tpu.memory_space<hbm>>
        %dma_wait3A_271 = tpu.memref_squeeze %dma_wait3A_270 : memref<1x256x64xf32, #tpu.memory_space<hbm>> -> memref<256x64xf32, #tpu.memory_space<hbm>>
        %dma_wait3A_272 = tpu.memref_slice %arg8[%rem3A_163] : memref<4x!tpu.dma_semaphore, #tpu.memory_space<semaphore_mem>> -> memref<1x!tpu.dma_semaphore, #tpu.memory_space<semaphore_mem>>
        %dma_wait3A_273 = tpu.memref_squeeze %dma_wait3A_272 : memref<1x!tpu.dma_semaphore, #tpu.memory_space<semaphore_mem>> -> memref<!tpu.dma_semaphore, #tpu.memory_space<semaphore_mem>>
        %dma_wait3A_274 = arith.constant 0 : i32
        %dma_wait3A_275 = tpu.memref_slice %arg4[%select_n3A_245, %add3A_264, %dma_wait3A_274] : memref<50x16384x64xf32, #tpu.memory_space<hbm>> -> memref<1x256x64xf32, #tpu.memory_space<hbm>>
        %dma_wait3A_276 = tpu.memref_squeeze %dma_wait3A_275 : memref<1x256x64xf32, #tpu.memory_space<hbm>> -> memref<256x64xf32, #tpu.memory_space<hbm>>
        %dma_wait3A_277 = arith.constant 0 : i32
        %dma_wait3A_278 = arith.constant 0 : i32
        %dma_wait3A_279 = tpu.memref_slice %arg6[%rem3A_163, %dma_wait3A_277, %dma_wait3A_278] : memref<4x256x64xf32, #tpu.memory_space<vmem>> -> memref<1x256x64xf32, #tpu.memory_space<vmem>>
        %dma_wait3A_280 = tpu.memref_squeeze %dma_wait3A_279 : memref<1x256x64xf32, #tpu.memory_space<vmem>> -> memref<256x64xf32, #tpu.memory_space<vmem>>
        tpu.wait_dma2 semaphore(%dma_wait3A_273 : memref<!tpu.dma_semaphore, #tpu.memory_space<semaphore_mem>>) src(%dma_wait3A_280 : memref<256x64xf32, #tpu.memory_space<vmem>>) dst(%dma_wait3A_276 : memref<256x64xf32, #tpu.memory_space<hbm>>)
      } else {
      }
      %jit3A = arith.constant 2 : i32
      %div3A = arith.divsi %scan3A_162, %jit3A : i32
      %sign3A = arith.constant 0 : i32
      %sign3A_166 = arith.cmpi sgt, %scan3A_162, %sign3A : i32
      %sign3A_167 = arith.extui %sign3A_166 : i1 to i32
      %sign3A_168 = arith.constant 0 : i32
      %sign3A_169 = arith.cmpi slt, %scan3A_162, %sign3A_168 : i32
      %sign3A_170 = arith.extui %sign3A_169 : i1 to i32
      %sign3A_171 = arith.subi %sign3A_167, %sign3A_170 : i32
      %sign3A_172 = arith.constant 0 : i32
      %sign3A_173 = arith.cmpi sgt, %jit3A, %sign3A_172 : i32
      %sign3A_174 = arith.extui %sign3A_173 : i1 to i32
      %sign3A_175 = arith.constant 0 : i32
      %sign3A_176 = arith.cmpi slt, %jit3A, %sign3A_175 : i32
      %sign3A_177 = arith.extui %sign3A_176 : i1 to i32
      %sign3A_178 = arith.subi %sign3A_174, %sign3A_177 : i32
      %ne3A = arith.cmpi ne, %sign3A_171, %sign3A_178 : i32
      %rem3A_179 = arith.remsi %scan3A_162, %jit3A : i32
      %ne3A_180 = arith.constant 0 : i32
      %ne3A_181 = arith.cmpi ne, %rem3A_179, %ne3A_180 : i32
      %and3A = arith.andi %ne3A, %ne3A_181 : i1
      %sub3A = arith.constant 1 : i32
      %sub3A_182 = arith.subi %div3A, %sub3A : i32
      %select_n3A = arith.select %and3A, %sub3A_182, %div3A : i32
      %mul3A_183 = arith.constant 16384 : i32
      %mul3A_184 = arith.muli %select_n3A, %mul3A_183 : i32
      %add3A_185 = arith.addi %mul3A_184, %mul3A_2 : i32
      %jit3A_186 = arith.constant 2 : i32
      %eq3A = arith.constant 0 : i32
      %eq3A_187 = arith.cmpi eq, %jit3A_186, %eq3A : i32
      %jit3A_188 = arith.constant 1 : i32
      %select_n3A_189 = arith.select %eq3A_187, %jit3A_188, %jit3A_186 : i32
      %rem3A_190 = arith.remsi %scan3A_162, %select_n3A_189 : i32
      %ne3A_191 = arith.constant 0 : i32
      %ne3A_192 = arith.cmpi ne, %rem3A_190, %ne3A_191 : i32
      %lt3A = arith.constant 0 : i32
      %lt3A_193 = arith.cmpi slt, %rem3A_190, %lt3A : i32
      %lt3A_194 = arith.constant 0 : i32
      %lt3A_195 = arith.cmpi slt, %select_n3A_189, %lt3A_194 : i32
      %ne3A_196 = arith.xori %lt3A_193, %lt3A_195 : i1
      %and3A_197 = arith.andi %ne3A_196, %ne3A_192 : i1
      %add3A_198 = arith.addi %rem3A_190, %select_n3A_189 : i32
      %select_n3A_199 = arith.select %and3A_197, %add3A_198, %rem3A_190 : i32
      %mul3A_200 = arith.constant 256 : i32
      %mul3A_201 = arith.muli %select_n3A_199, %mul3A_200 : i32
      %add3A_202 = arith.addi %add3A_185, %mul3A_201 : i32
      "tpu.region"() ({
        %run_scoped3A = tpu.sem_alloc : memref<!tpu.dma_semaphore, #tpu.memory_space<semaphore_mem>>
        %dma_start3A_220 = arith.constant 0 : i32
        %dma_start3A_221 = tpu.memref_slice %arg5[%rem3A_163, %dma_start3A_220] : memref<4x256xi32, #tpu.memory_space<vmem>> -> memref<1x256xi32, #tpu.memory_space<vmem>>
        %dma_start3A_222 = tpu.memref_squeeze %dma_start3A_221 : memref<1x256xi32, #tpu.memory_space<vmem>> -> memref<256xi32, #tpu.memory_space<vmem>>
        %dma_start3A_223 = tpu.memref_slice %arg2[%add3A_202] : memref<819200xi32, #tpu.memory_space<hbm>> -> memref<256xi32, #tpu.memory_space<hbm>>
        %dma_start3A_224 = arith.constant 0 : i32
        %dma_start3A_225 = tpu.memref_slice %arg5[%rem3A_163, %dma_start3A_224] : memref<4x256xi32, #tpu.memory_space<vmem>> -> memref<1x256xi32, #tpu.memory_space<vmem>>
        %dma_start3A_226 = tpu.memref_squeeze %dma_start3A_225 : memref<1x256xi32, #tpu.memory_space<vmem>> -> memref<256xi32, #tpu.memory_space<vmem>>
        %dma_start3A_227 = tpu.memref_slice %arg2[%add3A_202] : memref<819200xi32, #tpu.memory_space<hbm>> -> memref<256xi32, #tpu.memory_space<hbm>>
        tpu.enqueue_dma source(%dma_start3A_227 : memref<256xi32, #tpu.memory_space<hbm>>) target(%dma_start3A_226 : memref<256xi32, #tpu.memory_space<vmem>>) target_semaphore(%run_scoped3A : memref<!tpu.dma_semaphore, #tpu.memory_space<semaphore_mem>>)
        %dma_wait3A_228 = arith.constant 0 : i32
        %dma_wait3A_229 = tpu.memref_slice %arg5[%rem3A_163, %dma_wait3A_228] : memref<4x256xi32, #tpu.memory_space<vmem>> -> memref<1x256xi32, #tpu.memory_space<vmem>>
        %dma_wait3A_230 = tpu.memref_squeeze %dma_wait3A_229 : memref<1x256xi32, #tpu.memory_space<vmem>> -> memref<256xi32, #tpu.memory_space<vmem>>
        %dma_wait3A_231 = tpu.memref_slice %arg2[%add3A_202] : memref<819200xi32, #tpu.memory_space<hbm>> -> memref<256xi32, #tpu.memory_space<hbm>>
        %dma_wait3A_232 = arith.constant 0 : i32
        %dma_wait3A_233 = tpu.memref_slice %arg5[%rem3A_163, %dma_wait3A_232] : memref<4x256xi32, #tpu.memory_space<vmem>> -> memref<1x256xi32, #tpu.memory_space<vmem>>
        %dma_wait3A_234 = tpu.memref_squeeze %dma_wait3A_233 : memref<1x256xi32, #tpu.memory_space<vmem>> -> memref<256xi32, #tpu.memory_space<vmem>>
        %dma_wait3A_235 = tpu.memref_slice %arg2[%add3A_202] : memref<819200xi32, #tpu.memory_space<hbm>> -> memref<256xi32, #tpu.memory_space<hbm>>
        tpu.wait_dma2 semaphore(%run_scoped3A : memref<!tpu.dma_semaphore, #tpu.memory_space<semaphore_mem>>) src(%dma_wait3A_235 : memref<256xi32, #tpu.memory_space<hbm>>) dst(%dma_wait3A_234 : memref<256xi32, #tpu.memory_space<vmem>>)
        tpu.yield
      }) : () -> ()
      %dma_start3A_203 = arith.constant 0 : i32
      %dma_start3A_204 = arith.constant 0 : i32
      %dma_start3A_205 = tpu.memref_slice %arg6[%rem3A_163, %dma_start3A_203, %dma_start3A_204] : memref<4x256x64xf32, #tpu.memory_space<vmem>> -> memref<1x256x64xf32, #tpu.memory_space<vmem>>
      %dma_start3A_206 = tpu.memref_squeeze %dma_start3A_205 : memref<1x256x64xf32, #tpu.memory_space<vmem>> -> memref<256x64xf32, #tpu.memory_space<vmem>>
      %dma_start3A_207 = arith.constant 0 : i32
      %dma_start3A_208 = tpu.memref_slice %arg5[%rem3A_163, %dma_start3A_207] : memref<4x256xi32, #tpu.memory_space<vmem>> -> memref<1x256xi32, #tpu.memory_space<vmem>>
      %dma_start3A_209 = tpu.memref_squeeze %dma_start3A_208 : memref<1x256xi32, #tpu.memory_space<vmem>> -> memref<256xi32, #tpu.memory_space<vmem>>
      %dma_start3A_210 = arith.constant 0 : i32
      %dma_start3A_211 = arith.constant 0 : i32
      %dma_start3A_212 = tpu.memref_slice %arg3[%dma_start3A_210, %dma_start3A_211] : memref<2002944x64xf32, #tpu.memory_space<hbm>> -> memref<2002944x64xf32, #tpu.memory_space<hbm>>
      %dma_start3A_213 = tpu.memref_slice %arg7[%rem3A_163] : memref<4x!tpu.dma_semaphore, #tpu.memory_space<semaphore_mem>> -> memref<1x!tpu.dma_semaphore, #tpu.memory_space<semaphore_mem>>
      %dma_start3A_214 = tpu.memref_squeeze %dma_start3A_213 : memref<1x!tpu.dma_semaphore, #tpu.memory_space<semaphore_mem>> -> memref<!tpu.dma_semaphore, #tpu.memory_space<semaphore_mem>>
      tpu.enqueue_indirect_dma source(%dma_start3A_212 : memref<2002944x64xf32, #tpu.memory_space<hbm>>) target(%dma_start3A_206 : memref<256x64xf32, #tpu.memory_space<vmem>>) offsets(%dma_start3A_209 : memref<256xi32, #tpu.memory_space<vmem>>) semaphore(%dma_start3A_214 : memref<!tpu.dma_semaphore, #tpu.memory_space<semaphore_mem>>)
      %ge3A_215 = arith.constant 2 : i32
      %ge3A_216 = arith.cmpi sge, %scan3A_162, %ge3A_215 : i32
      %convert_element_type3A_217 = arith.extui %ge3A_216 : i1 to i32
      %cond3A_218 = arith.constant 0 : i32
      %cond3A_219 = arith.cmpi ne, %convert_element_type3A_217, %cond3A_218 : i32
      scf.if %cond3A_219 {
        %sub3A_220 = arith.constant 2 : i32
        %sub3A_221 = arith.subi %scan3A_162, %sub3A_220 : i32
        %rem3A_222 = arith.constant 4 : i32
        %rem3A_223 = arith.remsi %sub3A_221, %rem3A_222 : i32
        %dma_wait3A_224 = arith.constant 0 : i32
        %dma_wait3A_225 = arith.constant 0 : i32
        %dma_wait3A_226 = tpu.memref_slice %arg6[%rem3A_223, %dma_wait3A_224, %dma_wait3A_225] : memref<4x256x64xf32, #tpu.memory_space<vmem>> -> memref<1x256x64xf32, #tpu.memory_space<vmem>>
        %dma_wait3A_227 = tpu.memref_squeeze %dma_wait3A_226 : memref<1x256x64xf32, #tpu.memory_space<vmem>> -> memref<256x64xf32, #tpu.memory_space<vmem>>
        %dma_wait3A_228 = arith.constant 0 : i32
        %dma_wait3A_229 = tpu.memref_slice %arg5[%rem3A_223, %dma_wait3A_228] : memref<4x256xi32, #tpu.memory_space<vmem>> -> memref<1x256xi32, #tpu.memory_space<vmem>>
        %dma_wait3A_230 = tpu.memref_squeeze %dma_wait3A_229 : memref<1x256xi32, #tpu.memory_space<vmem>> -> memref<256xi32, #tpu.memory_space<vmem>>
        %dma_wait3A_231 = arith.constant 0 : i32
        %dma_wait3A_232 = arith.constant 0 : i32
        %dma_wait3A_233 = tpu.memref_slice %arg3[%dma_wait3A_231, %dma_wait3A_232] : memref<2002944x64xf32, #tpu.memory_space<hbm>> -> memref<2002944x64xf32, #tpu.memory_space<hbm>>
        %dma_wait3A_234 = tpu.memref_slice %arg7[%rem3A_223] : memref<4x!tpu.dma_semaphore, #tpu.memory_space<semaphore_mem>> -> memref<1x!tpu.dma_semaphore, #tpu.memory_space<semaphore_mem>>
        %dma_wait3A_235 = tpu.memref_squeeze %dma_wait3A_234 : memref<1x!tpu.dma_semaphore, #tpu.memory_space<semaphore_mem>> -> memref<!tpu.dma_semaphore, #tpu.memory_space<semaphore_mem>>
        tpu.wait_indirect_dma semaphore(%dma_wait3A_235 : memref<!tpu.dma_semaphore, #tpu.memory_space<semaphore_mem>>) src(%dma_wait3A_233 : memref<2002944x64xf32, #tpu.memory_space<hbm>>) dst(%dma_wait3A_227 : memref<256x64xf32, #tpu.memory_space<vmem>>)
        %sub3A_236 = arith.constant 2 : i32
        %sub3A_237 = arith.subi %scan3A_162, %sub3A_236 : i32
        %jit3A_238 = arith.constant 2 : i32
        %div3A_239 = arith.divsi %sub3A_237, %jit3A_238 : i32
        %sign3A_240 = arith.constant 0 : i32
        %sign3A_241 = arith.cmpi sgt, %sub3A_237, %sign3A_240 : i32
        %sign3A_242 = arith.extui %sign3A_241 : i1 to i32
        %sign3A_243 = arith.constant 0 : i32
        %sign3A_244 = arith.cmpi slt, %sub3A_237, %sign3A_243 : i32
        %sign3A_245 = arith.extui %sign3A_244 : i1 to i32
        %sign3A_246 = arith.subi %sign3A_242, %sign3A_245 : i32
        %sign3A_247 = arith.constant 0 : i32
        %sign3A_248 = arith.cmpi sgt, %jit3A_238, %sign3A_247 : i32
        %sign3A_249 = arith.extui %sign3A_248 : i1 to i32
        %sign3A_250 = arith.constant 0 : i32
        %sign3A_251 = arith.cmpi slt, %jit3A_238, %sign3A_250 : i32
        %sign3A_252 = arith.extui %sign3A_251 : i1 to i32
        %sign3A_253 = arith.subi %sign3A_249, %sign3A_252 : i32
        %ne3A_254 = arith.cmpi ne, %sign3A_246, %sign3A_253 : i32
        %rem3A_255 = arith.remsi %sub3A_237, %jit3A_238 : i32
        %ne3A_256 = arith.constant 0 : i32
        %ne3A_257 = arith.cmpi ne, %rem3A_255, %ne3A_256 : i32
        %and3A_258 = arith.andi %ne3A_254, %ne3A_257 : i1
        %sub3A_259 = arith.constant 1 : i32
        %sub3A_260 = arith.subi %div3A_239, %sub3A_259 : i32
        %select_n3A_261 = arith.select %and3A_258, %sub3A_260, %div3A_239 : i32
        %jit3A_262 = arith.constant 2 : i32
        %eq3A_263 = arith.constant 0 : i32
        %eq3A_264 = arith.cmpi eq, %jit3A_262, %eq3A_263 : i32
        %jit3A_265 = arith.constant 1 : i32
        %select_n3A_266 = arith.select %eq3A_264, %jit3A_265, %jit3A_262 : i32
        %rem3A_267 = arith.remsi %sub3A_237, %select_n3A_266 : i32
        %ne3A_268 = arith.constant 0 : i32
        %ne3A_269 = arith.cmpi ne, %rem3A_267, %ne3A_268 : i32
        %lt3A_270 = arith.constant 0 : i32
        %lt3A_271 = arith.cmpi slt, %rem3A_267, %lt3A_270 : i32
        %lt3A_272 = arith.constant 0 : i32
        %lt3A_273 = arith.cmpi slt, %select_n3A_266, %lt3A_272 : i32
        %ne3A_274 = arith.xori %lt3A_271, %lt3A_273 : i1
        %and3A_275 = arith.andi %ne3A_274, %ne3A_269 : i1
        %add3A_276 = arith.addi %rem3A_267, %select_n3A_266 : i32
        %select_n3A_277 = arith.select %and3A_275, %add3A_276, %rem3A_267 : i32
        %mul3A_278 = arith.constant 256 : i32
        %mul3A_279 = arith.muli %select_n3A_277, %mul3A_278 : i32
        %add3A_280 = arith.addi %mul3A_2, %mul3A_279 : i32
        %dma_start3A_281 = arith.constant 0 : i32
        %dma_start3A_282 = arith.constant 0 : i32
        %dma_start3A_283 = tpu.memref_slice %arg6[%rem3A_223, %dma_start3A_281, %dma_start3A_282] : memref<4x256x64xf32, #tpu.memory_space<vmem>> -> memref<1x256x64xf32, #tpu.memory_space<vmem>>
        %dma_start3A_284 = tpu.memref_squeeze %dma_start3A_283 : memref<1x256x64xf32, #tpu.memory_space<vmem>> -> memref<256x64xf32, #tpu.memory_space<vmem>>
        %dma_start3A_285 = arith.constant 0 : i32
        %dma_start3A_286 = tpu.memref_slice %arg4[%select_n3A_261, %add3A_280, %dma_start3A_285] : memref<50x16384x64xf32, #tpu.memory_space<hbm>> -> memref<1x256x64xf32, #tpu.memory_space<hbm>>
        %dma_start3A_287 = tpu.memref_squeeze %dma_start3A_286 : memref<1x256x64xf32, #tpu.memory_space<hbm>> -> memref<256x64xf32, #tpu.memory_space<hbm>>
        %dma_start3A_288 = tpu.memref_slice %arg8[%rem3A_223] : memref<4x!tpu.dma_semaphore, #tpu.memory_space<semaphore_mem>> -> memref<1x!tpu.dma_semaphore, #tpu.memory_space<semaphore_mem>>
        %dma_start3A_289 = tpu.memref_squeeze %dma_start3A_288 : memref<1x!tpu.dma_semaphore, #tpu.memory_space<semaphore_mem>> -> memref<!tpu.dma_semaphore, #tpu.memory_space<semaphore_mem>>
        %dma_start3A_290 = arith.constant 0 : i32
        %dma_start3A_291 = tpu.memref_slice %arg4[%select_n3A_261, %add3A_280, %dma_start3A_290] : memref<50x16384x64xf32, #tpu.memory_space<hbm>> -> memref<1x256x64xf32, #tpu.memory_space<hbm>>
        %dma_start3A_292 = tpu.memref_squeeze %dma_start3A_291 : memref<1x256x64xf32, #tpu.memory_space<hbm>> -> memref<256x64xf32, #tpu.memory_space<hbm>>
        %dma_start3A_293 = arith.constant 0 : i32
        %dma_start3A_294 = arith.constant 0 : i32
        %dma_start3A_295 = tpu.memref_slice %arg6[%rem3A_223, %dma_start3A_293, %dma_start3A_294] : memref<4x256x64xf32, #tpu.memory_space<vmem>> -> memref<1x256x64xf32, #tpu.memory_space<vmem>>
        %dma_start3A_296 = tpu.memref_squeeze %dma_start3A_295 : memref<1x256x64xf32, #tpu.memory_space<vmem>> -> memref<256x64xf32, #tpu.memory_space<vmem>>
        tpu.enqueue_dma source(%dma_start3A_296 : memref<256x64xf32, #tpu.memory_space<vmem>>) target(%dma_start3A_292 : memref<256x64xf32, #tpu.memory_space<hbm>>) target_semaphore(%dma_start3A_289 : memref<!tpu.dma_semaphore, #tpu.memory_space<semaphore_mem>>)
      } else {
      }
    }
    %scan3A_7 = arith.constant 100 : i32
    %dma_wait3A = arith.constant 2 : i32
    %dma_wait3A_8 = arith.constant 2 : i32
    %dma_wait3A_9 = arith.constant 2 : i32
    %dma_wait3A_10 = arith.constant 0 : i32
    %dma_wait3A_11 = arith.constant 0 : i32
    %dma_wait3A_12 = tpu.memref_slice %arg6[%dma_wait3A_8, %dma_wait3A_10, %dma_wait3A_11] : memref<4x256x64xf32, #tpu.memory_space<vmem>> -> memref<1x256x64xf32, #tpu.memory_space<vmem>>
    %dma_wait3A_13 = tpu.memref_squeeze %dma_wait3A_12 : memref<1x256x64xf32, #tpu.memory_space<vmem>> -> memref<256x64xf32, #tpu.memory_space<vmem>>
    %dma_wait3A_14 = arith.constant 0 : i32
    %dma_wait3A_15 = tpu.memref_slice %arg5[%dma_wait3A, %dma_wait3A_14] : memref<4x256xi32, #tpu.memory_space<vmem>> -> memref<1x256xi32, #tpu.memory_space<vmem>>
    %dma_wait3A_16 = tpu.memref_squeeze %dma_wait3A_15 : memref<1x256xi32, #tpu.memory_space<vmem>> -> memref<256xi32, #tpu.memory_space<vmem>>
    %dma_wait3A_17 = arith.constant 0 : i32
    %dma_wait3A_18 = arith.constant 0 : i32
    %dma_wait3A_19 = tpu.memref_slice %arg3[%dma_wait3A_17, %dma_wait3A_18] : memref<2002944x64xf32, #tpu.memory_space<hbm>> -> memref<2002944x64xf32, #tpu.memory_space<hbm>>
    %dma_wait3A_20 = tpu.memref_slice %arg7[%dma_wait3A_9] : memref<4x!tpu.dma_semaphore, #tpu.memory_space<semaphore_mem>> -> memref<1x!tpu.dma_semaphore, #tpu.memory_space<semaphore_mem>>
    %dma_wait3A_21 = tpu.memref_squeeze %dma_wait3A_20 : memref<1x!tpu.dma_semaphore, #tpu.memory_space<semaphore_mem>> -> memref<!tpu.dma_semaphore, #tpu.memory_space<semaphore_mem>>
    tpu.wait_indirect_dma semaphore(%dma_wait3A_21 : memref<!tpu.dma_semaphore, #tpu.memory_space<semaphore_mem>>) src(%dma_wait3A_19 : memref<2002944x64xf32, #tpu.memory_space<hbm>>) dst(%dma_wait3A_13 : memref<256x64xf32, #tpu.memory_space<vmem>>)
    %add3A_22 = arith.constant 0 : i32
    %add3A_23 = arith.addi %mul3A_2, %add3A_22 : i32
    %dma_start3A = arith.constant 2 : i32
    %dma_start3A_24 = arith.constant 49 : i32
    %dma_start3A_25 = arith.constant 2 : i32
    %dma_start3A_26 = arith.constant 0 : i32
    %dma_start3A_27 = arith.constant 0 : i32
    %dma_start3A_28 = tpu.memref_slice %arg6[%dma_start3A, %dma_start3A_26, %dma_start3A_27] : memref<4x256x64xf32, #tpu.memory_space<vmem>> -> memref<1x256x64xf32, #tpu.memory_space<vmem>>
    %dma_start3A_29 = tpu.memref_squeeze %dma_start3A_28 : memref<1x256x64xf32, #tpu.memory_space<vmem>> -> memref<256x64xf32, #tpu.memory_space<vmem>>
    %dma_start3A_30 = arith.constant 0 : i32
    %dma_start3A_31 = tpu.memref_slice %arg4[%dma_start3A_24, %add3A_23, %dma_start3A_30] : memref<50x16384x64xf32, #tpu.memory_space<hbm>> -> memref<1x256x64xf32, #tpu.memory_space<hbm>>
    %dma_start3A_32 = tpu.memref_squeeze %dma_start3A_31 : memref<1x256x64xf32, #tpu.memory_space<hbm>> -> memref<256x64xf32, #tpu.memory_space<hbm>>
    %dma_start3A_33 = tpu.memref_slice %arg8[%dma_start3A_25] : memref<4x!tpu.dma_semaphore, #tpu.memory_space<semaphore_mem>> -> memref<1x!tpu.dma_semaphore, #tpu.memory_space<semaphore_mem>>
    %dma_start3A_34 = tpu.memref_squeeze %dma_start3A_33 : memref<1x!tpu.dma_semaphore, #tpu.memory_space<semaphore_mem>> -> memref<!tpu.dma_semaphore, #tpu.memory_space<semaphore_mem>>
    %dma_start3A_35 = arith.constant 0 : i32
    %dma_start3A_36 = tpu.memref_slice %arg4[%dma_start3A_24, %add3A_23, %dma_start3A_35] : memref<50x16384x64xf32, #tpu.memory_space<hbm>> -> memref<1x256x64xf32, #tpu.memory_space<hbm>>
    %dma_start3A_37 = tpu.memref_squeeze %dma_start3A_36 : memref<1x256x64xf32, #tpu.memory_space<hbm>> -> memref<256x64xf32, #tpu.memory_space<hbm>>
    %dma_start3A_38 = arith.constant 0 : i32
    %dma_start3A_39 = arith.constant 0 : i32
    %dma_start3A_40 = tpu.memref_slice %arg6[%dma_start3A, %dma_start3A_38, %dma_start3A_39] : memref<4x256x64xf32, #tpu.memory_space<vmem>> -> memref<1x256x64xf32, #tpu.memory_space<vmem>>
    %dma_start3A_41 = tpu.memref_squeeze %dma_start3A_40 : memref<1x256x64xf32, #tpu.memory_space<vmem>> -> memref<256x64xf32, #tpu.memory_space<vmem>>
    tpu.enqueue_dma source(%dma_start3A_41 : memref<256x64xf32, #tpu.memory_space<vmem>>) target(%dma_start3A_37 : memref<256x64xf32, #tpu.memory_space<hbm>>) target_semaphore(%dma_start3A_34 : memref<!tpu.dma_semaphore, #tpu.memory_space<semaphore_mem>>)
    %dma_wait3A_42 = arith.constant 3 : i32
    %dma_wait3A_43 = arith.constant 3 : i32
    %dma_wait3A_44 = arith.constant 3 : i32
    %dma_wait3A_45 = arith.constant 0 : i32
    %dma_wait3A_46 = arith.constant 0 : i32
    %dma_wait3A_47 = tpu.memref_slice %arg6[%dma_wait3A_43, %dma_wait3A_45, %dma_wait3A_46] : memref<4x256x64xf32, #tpu.memory_space<vmem>> -> memref<1x256x64xf32, #tpu.memory_space<vmem>>
    %dma_wait3A_48 = tpu.memref_squeeze %dma_wait3A_47 : memref<1x256x64xf32, #tpu.memory_space<vmem>> -> memref<256x64xf32, #tpu.memory_space<vmem>>
    %dma_wait3A_49 = arith.constant 0 : i32
    %dma_wait3A_50 = tpu.memref_slice %arg5[%dma_wait3A_42, %dma_wait3A_49] : memref<4x256xi32, #tpu.memory_space<vmem>> -> memref<1x256xi32, #tpu.memory_space<vmem>>
    %dma_wait3A_51 = tpu.memref_squeeze %dma_wait3A_50 : memref<1x256xi32, #tpu.memory_space<vmem>> -> memref<256xi32, #tpu.memory_space<vmem>>
    %dma_wait3A_52 = arith.constant 0 : i32
    %dma_wait3A_53 = arith.constant 0 : i32
    %dma_wait3A_54 = tpu.memref_slice %arg3[%dma_wait3A_52, %dma_wait3A_53] : memref<2002944x64xf32, #tpu.memory_space<hbm>> -> memref<2002944x64xf32, #tpu.memory_space<hbm>>
    %dma_wait3A_55 = tpu.memref_slice %arg7[%dma_wait3A_44] : memref<4x!tpu.dma_semaphore, #tpu.memory_space<semaphore_mem>> -> memref<1x!tpu.dma_semaphore, #tpu.memory_space<semaphore_mem>>
    %dma_wait3A_56 = tpu.memref_squeeze %dma_wait3A_55 : memref<1x!tpu.dma_semaphore, #tpu.memory_space<semaphore_mem>> -> memref<!tpu.dma_semaphore, #tpu.memory_space<semaphore_mem>>
    tpu.wait_indirect_dma semaphore(%dma_wait3A_56 : memref<!tpu.dma_semaphore, #tpu.memory_space<semaphore_mem>>) src(%dma_wait3A_54 : memref<2002944x64xf32, #tpu.memory_space<hbm>>) dst(%dma_wait3A_48 : memref<256x64xf32, #tpu.memory_space<vmem>>)
    %add3A_57 = arith.constant 256 : i32
    %add3A_58 = arith.addi %mul3A_2, %add3A_57 : i32
    %dma_start3A_59 = arith.constant 3 : i32
    %dma_start3A_60 = arith.constant 49 : i32
    %dma_start3A_61 = arith.constant 3 : i32
    %dma_start3A_62 = arith.constant 0 : i32
    %dma_start3A_63 = arith.constant 0 : i32
    %dma_start3A_64 = tpu.memref_slice %arg6[%dma_start3A_59, %dma_start3A_62, %dma_start3A_63] : memref<4x256x64xf32, #tpu.memory_space<vmem>> -> memref<1x256x64xf32, #tpu.memory_space<vmem>>
    %dma_start3A_65 = tpu.memref_squeeze %dma_start3A_64 : memref<1x256x64xf32, #tpu.memory_space<vmem>> -> memref<256x64xf32, #tpu.memory_space<vmem>>
    %dma_start3A_66 = arith.constant 0 : i32
    %dma_start3A_67 = tpu.memref_slice %arg4[%dma_start3A_60, %add3A_58, %dma_start3A_66] : memref<50x16384x64xf32, #tpu.memory_space<hbm>> -> memref<1x256x64xf32, #tpu.memory_space<hbm>>
    %dma_start3A_68 = tpu.memref_squeeze %dma_start3A_67 : memref<1x256x64xf32, #tpu.memory_space<hbm>> -> memref<256x64xf32, #tpu.memory_space<hbm>>
    %dma_start3A_69 = tpu.memref_slice %arg8[%dma_start3A_61] : memref<4x!tpu.dma_semaphore, #tpu.memory_space<semaphore_mem>> -> memref<1x!tpu.dma_semaphore, #tpu.memory_space<semaphore_mem>>
    %dma_start3A_70 = tpu.memref_squeeze %dma_start3A_69 : memref<1x!tpu.dma_semaphore, #tpu.memory_space<semaphore_mem>> -> memref<!tpu.dma_semaphore, #tpu.memory_space<semaphore_mem>>
    %dma_start3A_71 = arith.constant 0 : i32
    %dma_start3A_72 = tpu.memref_slice %arg4[%dma_start3A_60, %add3A_58, %dma_start3A_71] : memref<50x16384x64xf32, #tpu.memory_space<hbm>> -> memref<1x256x64xf32, #tpu.memory_space<hbm>>
    %dma_start3A_73 = tpu.memref_squeeze %dma_start3A_72 : memref<1x256x64xf32, #tpu.memory_space<hbm>> -> memref<256x64xf32, #tpu.memory_space<hbm>>
    %dma_start3A_74 = arith.constant 0 : i32
    %dma_start3A_75 = arith.constant 0 : i32
    %dma_start3A_76 = tpu.memref_slice %arg6[%dma_start3A_59, %dma_start3A_74, %dma_start3A_75] : memref<4x256x64xf32, #tpu.memory_space<vmem>> -> memref<1x256x64xf32, #tpu.memory_space<vmem>>
    %dma_start3A_77 = tpu.memref_squeeze %dma_start3A_76 : memref<1x256x64xf32, #tpu.memory_space<vmem>> -> memref<256x64xf32, #tpu.memory_space<vmem>>
    tpu.enqueue_dma source(%dma_start3A_77 : memref<256x64xf32, #tpu.memory_space<vmem>>) target(%dma_start3A_73 : memref<256x64xf32, #tpu.memory_space<hbm>>) target_semaphore(%dma_start3A_70 : memref<!tpu.dma_semaphore, #tpu.memory_space<semaphore_mem>>)
    %add3A_78 = arith.constant 0 : i32
    %add3A_79 = arith.addi %mul3A_2, %add3A_78 : i32
    %dma_wait3A_80 = arith.constant 0 : i32
    %dma_wait3A_81 = arith.constant 48 : i32
    %dma_wait3A_82 = arith.constant 0 : i32
    %dma_wait3A_83 = arith.constant 0 : i32
    %dma_wait3A_84 = arith.constant 0 : i32
    %dma_wait3A_85 = tpu.memref_slice %arg6[%dma_wait3A_80, %dma_wait3A_83, %dma_wait3A_84] : memref<4x256x64xf32, #tpu.memory_space<vmem>> -> memref<1x256x64xf32, #tpu.memory_space<vmem>>
    %dma_wait3A_86 = tpu.memref_squeeze %dma_wait3A_85 : memref<1x256x64xf32, #tpu.memory_space<vmem>> -> memref<256x64xf32, #tpu.memory_space<vmem>>
    %dma_wait3A_87 = arith.constant 0 : i32
    %dma_wait3A_88 = tpu.memref_slice %arg4[%dma_wait3A_81, %add3A_79, %dma_wait3A_87] : memref<50x16384x64xf32, #tpu.memory_space<hbm>> -> memref<1x256x64xf32, #tpu.memory_space<hbm>>
    %dma_wait3A_89 = tpu.memref_squeeze %dma_wait3A_88 : memref<1x256x64xf32, #tpu.memory_space<hbm>> -> memref<256x64xf32, #tpu.memory_space<hbm>>
    %dma_wait3A_90 = tpu.memref_slice %arg8[%dma_wait3A_82] : memref<4x!tpu.dma_semaphore, #tpu.memory_space<semaphore_mem>> -> memref<1x!tpu.dma_semaphore, #tpu.memory_space<semaphore_mem>>
    %dma_wait3A_91 = tpu.memref_squeeze %dma_wait3A_90 : memref<1x!tpu.dma_semaphore, #tpu.memory_space<semaphore_mem>> -> memref<!tpu.dma_semaphore, #tpu.memory_space<semaphore_mem>>
    %dma_wait3A_92 = arith.constant 0 : i32
    %dma_wait3A_93 = tpu.memref_slice %arg4[%dma_wait3A_81, %add3A_79, %dma_wait3A_92] : memref<50x16384x64xf32, #tpu.memory_space<hbm>> -> memref<1x256x64xf32, #tpu.memory_space<hbm>>
    %dma_wait3A_94 = tpu.memref_squeeze %dma_wait3A_93 : memref<1x256x64xf32, #tpu.memory_space<hbm>> -> memref<256x64xf32, #tpu.memory_space<hbm>>
    %dma_wait3A_95 = arith.constant 0 : i32
    %dma_wait3A_96 = arith.constant 0 : i32
    %dma_wait3A_97 = tpu.memref_slice %arg6[%dma_wait3A_80, %dma_wait3A_95, %dma_wait3A_96] : memref<4x256x64xf32, #tpu.memory_space<vmem>> -> memref<1x256x64xf32, #tpu.memory_space<vmem>>
    %dma_wait3A_98 = tpu.memref_squeeze %dma_wait3A_97 : memref<1x256x64xf32, #tpu.memory_space<vmem>> -> memref<256x64xf32, #tpu.memory_space<vmem>>
    tpu.wait_dma2 semaphore(%dma_wait3A_91 : memref<!tpu.dma_semaphore, #tpu.memory_space<semaphore_mem>>) src(%dma_wait3A_98 : memref<256x64xf32, #tpu.memory_space<vmem>>) dst(%dma_wait3A_94 : memref<256x64xf32, #tpu.memory_space<hbm>>)
    %add3A_99 = arith.constant 256 : i32
    %add3A_100 = arith.addi %mul3A_2, %add3A_99 : i32
    %dma_wait3A_101 = arith.constant 1 : i32
    %dma_wait3A_102 = arith.constant 48 : i32
    %dma_wait3A_103 = arith.constant 1 : i32
    %dma_wait3A_104 = arith.constant 0 : i32
    %dma_wait3A_105 = arith.constant 0 : i32
    %dma_wait3A_106 = tpu.memref_slice %arg6[%dma_wait3A_101, %dma_wait3A_104, %dma_wait3A_105] : memref<4x256x64xf32, #tpu.memory_space<vmem>> -> memref<1x256x64xf32, #tpu.memory_space<vmem>>
    %dma_wait3A_107 = tpu.memref_squeeze %dma_wait3A_106 : memref<1x256x64xf32, #tpu.memory_space<vmem>> -> memref<256x64xf32, #tpu.memory_space<vmem>>
    %dma_wait3A_108 = arith.constant 0 : i32
    %dma_wait3A_109 = tpu.memref_slice %arg4[%dma_wait3A_102, %add3A_100, %dma_wait3A_108] : memref<50x16384x64xf32, #tpu.memory_space<hbm>> -> memref<1x256x64xf32, #tpu.memory_space<hbm>>
    %dma_wait3A_110 = tpu.memref_squeeze %dma_wait3A_109 : memref<1x256x64xf32, #tpu.memory_space<hbm>> -> memref<256x64xf32, #tpu.memory_space<hbm>>
    %dma_wait3A_111 = tpu.memref_slice %arg8[%dma_wait3A_103] : memref<4x!tpu.dma_semaphore, #tpu.memory_space<semaphore_mem>> -> memref<1x!tpu.dma_semaphore, #tpu.memory_space<semaphore_mem>>
    %dma_wait3A_112 = tpu.memref_squeeze %dma_wait3A_111 : memref<1x!tpu.dma_semaphore, #tpu.memory_space<semaphore_mem>> -> memref<!tpu.dma_semaphore, #tpu.memory_space<semaphore_mem>>
    %dma_wait3A_113 = arith.constant 0 : i32
    %dma_wait3A_114 = tpu.memref_slice %arg4[%dma_wait3A_102, %add3A_100, %dma_wait3A_113] : memref<50x16384x64xf32, #tpu.memory_space<hbm>> -> memref<1x256x64xf32, #tpu.memory_space<hbm>>
    %dma_wait3A_115 = tpu.memref_squeeze %dma_wait3A_114 : memref<1x256x64xf32, #tpu.memory_space<hbm>> -> memref<256x64xf32, #tpu.memory_space<hbm>>
    %dma_wait3A_116 = arith.constant 0 : i32
    %dma_wait3A_117 = arith.constant 0 : i32
    %dma_wait3A_118 = tpu.memref_slice %arg6[%dma_wait3A_101, %dma_wait3A_116, %dma_wait3A_117] : memref<4x256x64xf32, #tpu.memory_space<vmem>> -> memref<1x256x64xf32, #tpu.memory_space<vmem>>
    %dma_wait3A_119 = tpu.memref_squeeze %dma_wait3A_118 : memref<1x256x64xf32, #tpu.memory_space<vmem>> -> memref<256x64xf32, #tpu.memory_space<vmem>>
    tpu.wait_dma2 semaphore(%dma_wait3A_112 : memref<!tpu.dma_semaphore, #tpu.memory_space<semaphore_mem>>) src(%dma_wait3A_119 : memref<256x64xf32, #tpu.memory_space<vmem>>) dst(%dma_wait3A_115 : memref<256x64xf32, #tpu.memory_space<hbm>>)
    %add3A_120 = arith.constant 0 : i32
    %add3A_121 = arith.addi %mul3A_2, %add3A_120 : i32
    %dma_wait3A_122 = arith.constant 2 : i32
    %dma_wait3A_123 = arith.constant 49 : i32
    %dma_wait3A_124 = arith.constant 2 : i32
    %dma_wait3A_125 = arith.constant 0 : i32
    %dma_wait3A_126 = arith.constant 0 : i32
    %dma_wait3A_127 = tpu.memref_slice %arg6[%dma_wait3A_122, %dma_wait3A_125, %dma_wait3A_126] : memref<4x256x64xf32, #tpu.memory_space<vmem>> -> memref<1x256x64xf32, #tpu.memory_space<vmem>>
    %dma_wait3A_128 = tpu.memref_squeeze %dma_wait3A_127 : memref<1x256x64xf32, #tpu.memory_space<vmem>> -> memref<256x64xf32, #tpu.memory_space<vmem>>
    %dma_wait3A_129 = arith.constant 0 : i32
    %dma_wait3A_130 = tpu.memref_slice %arg4[%dma_wait3A_123, %add3A_121, %dma_wait3A_129] : memref<50x16384x64xf32, #tpu.memory_space<hbm>> -> memref<1x256x64xf32, #tpu.memory_space<hbm>>
    %dma_wait3A_131 = tpu.memref_squeeze %dma_wait3A_130 : memref<1x256x64xf32, #tpu.memory_space<hbm>> -> memref<256x64xf32, #tpu.memory_space<hbm>>
    %dma_wait3A_132 = tpu.memref_slice %arg8[%dma_wait3A_124] : memref<4x!tpu.dma_semaphore, #tpu.memory_space<semaphore_mem>> -> memref<1x!tpu.dma_semaphore, #tpu.memory_space<semaphore_mem>>
    %dma_wait3A_133 = tpu.memref_squeeze %dma_wait3A_132 : memref<1x!tpu.dma_semaphore, #tpu.memory_space<semaphore_mem>> -> memref<!tpu.dma_semaphore, #tpu.memory_space<semaphore_mem>>
    %dma_wait3A_134 = arith.constant 0 : i32
    %dma_wait3A_135 = tpu.memref_slice %arg4[%dma_wait3A_123, %add3A_121, %dma_wait3A_134] : memref<50x16384x64xf32, #tpu.memory_space<hbm>> -> memref<1x256x64xf32, #tpu.memory_space<hbm>>
    %dma_wait3A_136 = tpu.memref_squeeze %dma_wait3A_135 : memref<1x256x64xf32, #tpu.memory_space<hbm>> -> memref<256x64xf32, #tpu.memory_space<hbm>>
    %dma_wait3A_137 = arith.constant 0 : i32
    %dma_wait3A_138 = arith.constant 0 : i32
    %dma_wait3A_139 = tpu.memref_slice %arg6[%dma_wait3A_122, %dma_wait3A_137, %dma_wait3A_138] : memref<4x256x64xf32, #tpu.memory_space<vmem>> -> memref<1x256x64xf32, #tpu.memory_space<vmem>>
    %dma_wait3A_140 = tpu.memref_squeeze %dma_wait3A_139 : memref<1x256x64xf32, #tpu.memory_space<vmem>> -> memref<256x64xf32, #tpu.memory_space<vmem>>
    tpu.wait_dma2 semaphore(%dma_wait3A_133 : memref<!tpu.dma_semaphore, #tpu.memory_space<semaphore_mem>>) src(%dma_wait3A_140 : memref<256x64xf32, #tpu.memory_space<vmem>>) dst(%dma_wait3A_136 : memref<256x64xf32, #tpu.memory_space<hbm>>)
    %add3A_141 = arith.constant 256 : i32
    %add3A_142 = arith.addi %mul3A_2, %add3A_141 : i32
    %dma_wait3A_143 = arith.constant 3 : i32
    %dma_wait3A_144 = arith.constant 49 : i32
    %dma_wait3A_145 = arith.constant 3 : i32
    %dma_wait3A_146 = arith.constant 0 : i32
    %dma_wait3A_147 = arith.constant 0 : i32
    %dma_wait3A_148 = tpu.memref_slice %arg6[%dma_wait3A_143, %dma_wait3A_146, %dma_wait3A_147] : memref<4x256x64xf32, #tpu.memory_space<vmem>> -> memref<1x256x64xf32, #tpu.memory_space<vmem>>
    %dma_wait3A_149 = tpu.memref_squeeze %dma_wait3A_148 : memref<1x256x64xf32, #tpu.memory_space<vmem>> -> memref<256x64xf32, #tpu.memory_space<vmem>>
    %dma_wait3A_150 = arith.constant 0 : i32
    %dma_wait3A_151 = tpu.memref_slice %arg4[%dma_wait3A_144, %add3A_142, %dma_wait3A_150] : memref<50x16384x64xf32, #tpu.memory_space<hbm>> -> memref<1x256x64xf32, #tpu.memory_space<hbm>>
    %dma_wait3A_152 = tpu.memref_squeeze %dma_wait3A_151 : memref<1x256x64xf32, #tpu.memory_space<hbm>> -> memref<256x64xf32, #tpu.memory_space<hbm>>
    %dma_wait3A_153 = tpu.memref_slice %arg8[%dma_wait3A_145] : memref<4x!tpu.dma_semaphore, #tpu.memory_space<semaphore_mem>> -> memref<1x!tpu.dma_semaphore, #tpu.memory_space<semaphore_mem>>
    %dma_wait3A_154 = tpu.memref_squeeze %dma_wait3A_153 : memref<1x!tpu.dma_semaphore, #tpu.memory_space<semaphore_mem>> -> memref<!tpu.dma_semaphore, #tpu.memory_space<semaphore_mem>>
    %dma_wait3A_155 = arith.constant 0 : i32
    %dma_wait3A_156 = tpu.memref_slice %arg4[%dma_wait3A_144, %add3A_142, %dma_wait3A_155] : memref<50x16384x64xf32, #tpu.memory_space<hbm>> -> memref<1x256x64xf32, #tpu.memory_space<hbm>>
    %dma_wait3A_157 = tpu.memref_squeeze %dma_wait3A_156 : memref<1x256x64xf32, #tpu.memory_space<hbm>> -> memref<256x64xf32, #tpu.memory_space<hbm>>
    %dma_wait3A_158 = arith.constant 0 : i32
    %dma_wait3A_159 = arith.constant 0 : i32
    %dma_wait3A_160 = tpu.memref_slice %arg6[%dma_wait3A_143, %dma_wait3A_158, %dma_wait3A_159] : memref<4x256x64xf32, #tpu.memory_space<vmem>> -> memref<1x256x64xf32, #tpu.memory_space<vmem>>
    %dma_wait3A_161 = tpu.memref_squeeze %dma_wait3A_160 : memref<1x256x64xf32, #tpu.memory_space<vmem>> -> memref<256x64xf32, #tpu.memory_space<vmem>>
    tpu.wait_dma2 semaphore(%dma_wait3A_154 : memref<!tpu.dma_semaphore, #tpu.memory_space<semaphore_mem>>) src(%dma_wait3A_161 : memref<256x64xf32, #tpu.memory_space<vmem>>) dst(%dma_wait3A_157 : memref<256x64xf32, #tpu.memory_space<hbm>>)
    return
  }
}

module attributes {stable_mosaic.version = 14 : i64} {
  func.func @body(%arg0: i32, %arg1: memref<64x2048xf32, #tpu.memory_space<vmem>>, %arg2: memref<2048x128xf32, #tpu.memory_space<vmem>>) attributes {dimension_semantics = [#tpu.dimension_semantics<arbitrary>], iteration_bounds = array<i64: 489>, scalar_prefetch = 0 : i64, scratch_operands = 0 : i64, tpu.core_type = #tpu.core_type<tc>, window_params = [{transform_indices = @transform_0, window_bounds = array<i64: 64, 2048>}, {transform_indices = @transform_1, window_bounds = array<i64: 2048, 128>}]} {
    %get3A = arith.constant 0 : index
    %get3A_0 = arith.constant 0 : index
    %get3A_1 = vector.load %arg1[%get3A, %get3A_0] : memref<64x2048xf32, #tpu.memory_space<vmem>>, vector<64x2048xf32>
    %transpose3A = tpu.transpose %get3A_1, [1, 0] : vector<64x2048xf32> -> vector<2048x64xf32>
    %swap3A = arith.constant 0 : index
    %swap3A_2 = arith.constant 0 : index
    %swap3A_3 = vector.load %arg2[%swap3A, %swap3A_2] : memref<2048x128xf32, #tpu.memory_space<vmem>>, vector<2048x64xf32>
    tpu.vector_store %arg2[%swap3A, %swap3A_2], %transpose3A {strides = array<i32>} : memref<2048x128xf32, #tpu.memory_space<vmem>>, vector<2048x64xf32>,
    return
  }
  func.func @transform_0(%arg0: i32) -> (i32, i32) {
    %c0_i32 = arith.constant 0 : i32
    %c0_i32_0 = arith.constant 0 : i32
    return %c0_i32, %arg0 : i32, i32
  }
  func.func @transform_1(%arg0: i32) -> (i32, i32) {
    %c0_i32 = arith.constant 0 : i32
    %c0_i32_0 = arith.constant 0 : i32
    return %arg0, %c0_i32 : i32, i32
  }
}

</mosaic_0001>

<sc_bundles>
// kernel: kernel.4.cloned.1.call-start
scs
__scs_entry_jumppad:
0x0: {  	(pc) =	sbr.rel $0x88, $3  }
0x1: {  	(tag) =	ssettag $0x0;
	lr =	simm.s32 $0x1  }
0x2: {  	[smem:$0x3F9F] =	sst lr;
	_ =	strace $0xD0000000  }
0x3: {  	_ = 	snop  }
0x4: {  	_ = 	snop  }
0x5: {  	_ = 	snop  }
0x6: {  	_ = 	snop  }
0x7: {  	_ = 	snop  }
__scs_overlays_trampoline_lowered:
0x8: {  	[smem:$0x3FAE] =	sst s0  }
0x9: {  	[smem:$0x3FAF] =	sst s1  }
0xa: {  	[smem:$0x3FB0] =	sst s2  }
0xb: {  	[smem:$0x3FB1] =	sst s3  }
0xc: {  	[smem:$0x3FB2] =	sst s4  }
0xd: {  	[smem:$0x3FB3] =	sst s5  }
0xe: {  	[smem:$0x3FB4] =	sst s6  }
0xf: {  	[smem:$0x3FB5] =	sst s7  }
0x10: {  	[smem:$0x3FB6] =	sst s8  }
0x11: {  	[smem:$0x3FB7] =	sst s9;
	s0 =	simm.s32 @!p0 $0x0  }
0x12: {  	s1 =	sld [smem:$0x3F9D];
	s0 =	simm.s32 @p0 $0x1  }
0x13: {  	[smem:$0x3FB8] =	sst s0;
	s0 =	simm.s32 @!p1 $0x0  }
0x14: {  	s2 =	sld [smem:$0x3F9C];
	s0 =	simm.s32 @p1 $0x1  }
0x15: {  	[smem:$0x3FB9] =	sst s0;
	s0 =	simm.s32 @!p2 $0x0  }
0x16: {  	s3 =	sld [smem:$0x3FDB];
	s0 =	simm.s32 @p2 $0x1  }
0x17: {  	s4 =	simm.s32 $0x1BF5;
	[smem:$0x3FBB] =	sst s0  }
0x18: {  	s0 =	sld [smem:$0x3F9E];
	_ =	swait.ge [sflag:s4], $0x0  }
0x19: {  	s7 =	sld [smem:$0x3F9F]  }
0x1a: {  	s8 =	sadd.s32 $0xFFFFE003, lr  }
0x1b: {  	s9 =	sadd.s32 $0xFFFFFEF7, lr;
	s5 =	simm.s32 $0xFFFFFFFF;
	p2 =	slt.u32 s8, $0xFFFFF086  }
0x1c: {  	p1 =	slt.u32 s9, $0xF7A;
	s5 =	simm.s32 @!p2 $0x0  }
0x1d: {  	s5 =	simm.s32 @p1 $0x1;
	p0 =	seq.s32 s7, s2  }
0x1e: {  	s7 =	smul.u32 @!p0 $0xF7A, s2;
	p2 =	seq.s32 @!p0 s5, $0x0  }
0x1f: {  	s9 =	smul.u32 $0xF7A, s1;
	s8 =	simm.s32 @!p0 $0x1BF5;
	p2 =	por !p2, p0  }
0x20: {  	[sflag:s8] =	ssyncset.s32 @!p0 $0xFFFFF086;
	s6 =	sadd.s32 @!p0 s3, s7;
	s7 =	simm.s32 @!p0 $0x108  }
0x21: {  	s3 =	sadd.s32 s3, s9;
	s6 =	sadd.s32 @!p0 $0x88, s6;
	s7 =	simm.s32 @p2 $0x1082  }
0x22: {  	[simem:s7], [sflag:s8] =	dma.local @!p0 [hbm:s6], $0xF7A  }
0x23: {  	s9 =	sor.u32 $0xD0000000, s2;
	s6 =	simm.s32 $0x108;
	_ =	swait.ge @!p0 [sflag:s8], $0x0  }
0x24: {  	s3 =	sadd.s32 $0x88, s3;
	s6 =	simm.s32 @!p1 $0x1082;
	[sflag:s4] =	ssyncset.s32 $0xFFFFF086  }
0x25: {  	[simem:s6], [sflag:s4] =	dma.local [hbm:s3], $0xF7A  }
0x26: {  	[smem:$0x3F9F] =	sst s1;
	(tag) =	ssettag s2;
	_ =	strace s9  }
0x27: {  	s1 =	sld [smem:$0x3FAF]  }
0x28: {  	s2 =	sld [smem:$0x3FB0]  }
0x29: {  	s4 =	sld [smem:$0x3FB2]  }
0x2a: {  	p0 =	seq.s32 s5, $0x0;
	s5 =	sld [smem:$0x3FB3]  }
0x2b: {  	s6 =	sld [smem:$0x3FB4]  }
0x2c: {  	s7 =	sld [smem:$0x3FB5]  }
0x2d: {  	s3 =	simm.s32 $0x108;
	s8 =	sld [smem:$0x3FB6]  }
0x2e: {  	s3 =	simm.s32 @!p0 $0x1082;
	s9 =	sld [smem:$0x3FB7]  }
0x2f: {  	lr =	sadd.s32 s0, s3;
	s0 =	sld [smem:$0x3FAE]  }
0x30: {  	s3 =	sld [smem:$0x3FB1]  }
0x31: {  	[smem:$0x3FBA] =	sst s10  }
0x32: {  	s10 =	sld [smem:$0x3FB8];
	_ =	sdelay $0x3  }
0x33: {  	p0 =	seq.s32 s10, $0x1;
	s10 =	sld [smem:$0x3FBA];
	_ =	sdelay $0x3  }
0x34: {  	[smem:$0x3FBA] =	sst s10  }
0x35: {  	s10 =	sld [smem:$0x3FB9];
	_ =	sdelay $0x3  }
0x36: {  	p1 =	seq.s32 s10, $0x1;
	s10 =	sld [smem:$0x3FBA];
	_ =	sdelay $0x3  }
0x37: {  	[smem:$0x3FBA] =	sst s10  }
0x38: {  	s10 =	sld [smem:$0x3FBB]  }
0x39: {  	_ = 	snop;
	(pc) =	sbr.ind lr, $3  }
0x3a: {  	_ = 	snop  }
0x3b: {  	_ = 	snop  }
0x3c: {  	p2 =	seq.s32 s10, $0x1;
	s10 =	sld [smem:$0x3FBA]  }
0x3d: {  	_ =	shalt  }
0x3e: {  	_ =	shalt  }
0x3f: {  	_ =	shalt  }
0x40: {  	_ =	shalt  }
0x41: {  	_ =	shalt  }
0x42: {  	_ =	shalt  }
0x43: {  	_ =	shalt  }
0x44: {  	_ =	shalt  }
0x45: {  	_ =	shalt  }
0x46: {  	_ =	shalt  }
0x47: {  	_ =	shalt  }
0x48: {  	_ =	shalt  }
0x49: {  	_ =	shalt  }
0x4a: {  	_ =	shalt  }
0x4b: {  	_ =	shalt  }
0x4c: {  	_ =	shalt  }
0x4d: {  	_ =	shalt  }
0x4e: {  	_ =	shalt  }
0x4f: {  	_ =	shalt  }
0x50: {  	_ =	shalt  }
0x51: {  	_ =	shalt  }
0x52: {  	_ =	shalt  }
0x53: {  	_ =	shalt  }
0x54: {  	_ =	shalt  }
0x55: {  	_ =	shalt  }
0x56: {  	_ =	shalt  }
0x57: {  	_ =	shalt  }
0x58: {  	_ =	shalt  }
0x59: {  	_ =	shalt  }
0x5a: {  	_ =	shalt  }
0x5b: {  	_ =	shalt  }
0x5c: {  	_ =	shalt  }
0x5d: {  	_ =	shalt  }
0x5e: {  	_ =	shalt  }
0x5f: {  	_ =	shalt  }
0x60: {  	_ =	shalt  }
0x61: {  	_ =	shalt  }
0x62: {  	_ =	shalt  }
0x63: {  	_ =	shalt  }
0x64: {  	_ =	shalt  }
0x65: {  	_ =	shalt  }
0x66: {  	_ =	shalt  }
0x67: {  	_ =	shalt  }
0x68: {  	_ =	shalt  }
0x69: {  	_ =	shalt  }
0x6a: {  	_ =	shalt  }
0x6b: {  	_ =	shalt  }
0x6c: {  	_ =	shalt  }
0x6d: {  	_ =	shalt  }
0x6e: {  	_ =	shalt  }
0x6f: {  	_ =	shalt  }
0x70: {  	_ =	shalt  }
0x71: {  	_ =	shalt  }
0x72: {  	_ =	shalt  }
0x73: {  	_ =	shalt  }
0x74: {  	_ =	shalt  }
0x75: {  	_ =	shalt  }
0x76: {  	_ =	shalt  }
0x77: {  	_ =	shalt  }
0x78: {  	_ =	shalt  }
0x79: {  	_ =	shalt  }
0x7a: {  	_ =	shalt  }
0x7b: {  	_ =	shalt  }
0x7c: {  	_ =	shalt  }
0x7d: {  	_ =	shalt  }
0x7e: {  	_ =	shalt  }
0x7f: {  	_ =	shalt  }
0x80: {  	_ =	shalt  }
0x81: {  	_ =	shalt  }
0x82: {  	_ =	shalt  }
0x83: {  	_ =	shalt  }
0x84: {  	_ =	shalt  }
0x85: {  	_ =	shalt  }
0x86: {  	_ =	shalt  }
0x87: {  	_ =	shalt  }
.Lfunc_end0:
.L_simem_size_0:
called_computation.1_lowered:
.L_overlay_start_0:
0x88: {  	s2 =	sld [smem:$0x3FD9]  }
0x89: {  	s3 =	sld [smem:$0x3FFE];
	_ =	sdelay $0x1  }
0x8a: {  	s1 =	srdreg.scid  }
0x8b: {  	s0 =	sand.u32 $0x1, s1  }
0x8c: {  	s17 =	sshll.u32 s0, $0xA;
	s2 =	sadd.s32 s3, s2  }
0x8d: {  	s2 =	sadd.s32 s2, s17  }
0x8e: {  	[smem:$0x3FC6] =	sst s2  }
0x8f: {  	_ = 	snop  }
0x90: {  	s2 =	sld [smem:$0x3FD0];
	(tm) =	ssettm $0x1  }
0x91: {  	s18 =	sld [smem:$0x3FFB];
	_ =	sdelay $0x3  }
0x92: {  	_ =	strace s18  }
0x93: {  	s3 =	sld [smem:$0x3FFC];
	_ =	sdelay $0x3  }
0x94: {  	_ =	strace s3  }
0x95: {  	s3 =	sld [smem:$0x3FFD];
	_ =	sdelay $0x3  }
0x96: {  	_ =	strace s3  }
0x97: {  	_ =	strace $0x8FFFFFFF  }
0x98: {  	s19 =	sld [smem:$0x3FDB];
	_ =	sdelay $0x1  }
0x99: {  	s4 =	simm.s32 $_scs_section_size  }
0x9a: {  	s5 =	simm.s32 $_size__tile_overlayer_lowered;
	s6 =	simm.s32 $_tile_overlayer_lowered  }
0x9b: {  	s22 =	simm.s32 $0x1BFF;
	s21 =	sshll.u32 s6, $0x1;
	s3 =	sadd.s32 s4, s19  }
0x9c: {  	s7 =	simm.s32 $0x0;
	s20 =	sshll.u32 s5, $0x1;
	s5 =	sadd.s32 s21, s3  }
0x9d: {  	[timem:s7], [sflag:s22] =	dma.local [hbm:s5], s20  }
0x9e: {  	_ =	swait.ge [sflag:s22], s20  }
0x9f: {  	s4 =	ssub.s32 $0x0, s20;
	[sflag:s22] =	ssyncset.done $0x0  }
0xa0: {  	[sflag:s22] =	ssyncadd.s32 s4;
	_ =	sdelay $0x1  }
0xa1: {  	s23 =	simm.s32 $0x1B8B  }
0xa2: {  	_ =	swait.ge [sflag:s23], $0x1  }
0xa3: {  	[sflag:s23] =	ssyncset.done $0x0  }
0xa4: {  	s25 =	simm.s32 $0x1B8E;
	s24 =	sld [smem:$0x3FFE];
	[sflag:s23] =	ssyncadd.s32 $0xFFFFFFFF  }
0xa5: {  	s26 =	simm.s32 $execute0_lowered;
	[smem:$0x3FD2] =	sst s25  }
0xa6: {  	s5 =	sshll.u32 s26, $0x1;
	_ =	strace $0x80000046;
	[dreg:$0x1] =	wrdreg $0xFFFFFFFF  }
0xa7: {  	s28 =	simm.s32 $_size_execute0_lowered;
	s3 =	sadd.s32 s3, s5;
	[dreg:$0x0] =	wrdreg $0x0  }
0xa8: {  	s5 =	sshll.u32 s28, $0x1;
	[dreg:$0x2] =	wrdreg s3  }
0xa9: {  	[dreg:$0x3] =	wrdreg s5  }
0xaa: {  	[dreg:$0x4] =	wrdreg $0xC0  }
0xab: {  	_ =	task [dreg:s7], $0x5FFFF  }
0xac: {  	[dreg:$0x1] =	wrdreg $0xFFFFFFFF  }
0xad: {  	[dreg:$0x0] =	wrdreg $0x60  }
0xae: {  	[dreg:$0x2] =	wrdreg s24  }
0xaf: {  	[dreg:$0x3] =	wrdreg s2  }
0xb0: {  	[dreg:$0x4] =	wrdreg $0x9  }
0xb1: {  	_ =	task.clear_ibuf [dreg:s7], $0x5FFFF;
	_ =	strace $0x90000046  }
0xb2: {  	s29 =	simm.s32 $0x9;
	_ =	strace $0x80000048  }
0xb3: {  	_ =	swait.ge [sflag:s29], $0x1  }
0xb4: {  	[sflag:s29] =	ssyncadd.s32 $0xFFFFFFFF  }
0xb5: {  	_ =	strace $0x90000048  }
0xb6: {  	_ =	sfence  }
0xb7: {  	s30 =	sld [smem:$0x0];
	_ =	sdelay $0x2  }
0xb8: {  	s31 =	sshll.u32 s1, $0xD;
	s1 =	sshrl.u32 s1, $0x2  }
0xb9: {  	s3 =	sand.u32 $0x4000, s31;
	s1 =	sadd.s32 s1, s30  }
0xba: {  	s0 =	sor.u32 s3, s0;
	s1 =	sshll.u32 s1, $0x11  }
0xbb: {  	s0 =	sor.u32 s1, s0  }
0xbc: {  	s0 =	sadd.s32 $0x8F2B, s0  }
0xbd: {  	[sflag:s0] =	ssyncadd.remote.s32 $0x1  }
0xbe: {  	_ =	sfence.sel $0xFFFF  }
0xbf: {  	[dreg:$0x0] =	wrdreg $0xFFFFFFFF;
	(pc) =	sbr.abs _section_cstart, $3  }
0xc0: {  	[dreg:$0x1] =	wrdreg $0xFFFFFFFF  }
0xc1: {  	_ =	task.clear_ibuf [dreg:s7], $0x2FFFF;
	_ =	strace $0x9FFFFFFF  }
0xc2: {  	(tm) =	ssettm $0x7FFFFFFF  }
0xc3: {  	_ =	shalt  }
tec
execute0_lowered:
.L_overlay_start_1:
0x0: {  	(tag) =	ssettag $0x1  }
0x1: {  	s5 =	rddreg [dreg:$0x0]  }
0x2: {  	s1 =	rddreg [dreg:$0x1]  }
0x3: {  	s0 =	rddreg [dreg:$0x2]  }
0x4: {  	s3 =	simm.s32 $0x0;
	s4 =	srdreg.scid;
	s2 =	stileid.u32  }
0x5: {  	s9 =	simm.s32 $0x100;
	s10 =	simm.s32 $0x8400;
	s11 =	simm.s32 $0x4  }
0x6: {  	s12 =	simm.s32 $0xC400;
	s13 =	simm.s32 $0x5;
	s14 =	simm.s32 $0x6  }
0x7: {  	s15 =	simm.s32 $0x7;
	s16 =	simm.s32 $0x8;
	s17 =	simm.s32 $0x0  }
0x8: {  	[smem:$0x7FF] =	sst s3;
	s4 =	sand.u32 $0x1, s4;
	s6 =	sadd.s32 $0x800, s5  }
0x9: {  	s7 =	sshll.u32 s2, $0xA;
	s5 =	sadd.s32 $0x19800, s5;
	_ =	strace $0x80000047  }
0xa: {  	s8 =	sshll.u32 s4, $0x9;
	[dreg:$0x3] =	wrdreg s6;
	s29 =	ssub.s32 $0x2, s4  }
0xb: {  	[dreg:$0x4] =	wrdreg s5;
	s4 =	sor.u32 s8, s7;
	s30 =	sshrl.u32 s29, $0x1  }
0xc: {  	[dreg:$0x5] =	wrdreg s9;
	s8 =	sshll.u32 s4, $0x3;
	s7 =	ssub.s32 s29, s30  }
0xd: {  	s9 =	simm.s32 $0x3;
	s31 =	sadd.s32 s8, s1;
	s7 =	smax.u32 s7, $0x1  }
0xe: {  	s8 =	simm.s32 $0x9;
	s5 =	sadd.s32 $0x620000, s31;
	s6 =	sadd.s32 $0x620800, s31  }
.LBB2_1:
0xf: {  	s19 =	simm.s32 $0xFFF00000;
	s18 =	simm.s32 $0x0  }
0x10: {  	s20 =	simm.s32 $0xFFFFFFFE;
	p1 =	por $0x1, $0x1;
	p0 =	por $0x1, $0x1  }
0x11: {  	s23 =	sand.u32 $0x100, s3;
	s24 =	sand.u32 $0xFC000, s3;
	s21 =	sand.u32 $0x3, s18  }
0x12: {  	s18 =	simm.s32 $0xFFFFFFFF;
	s24 =	sor.u32 s24, s4;
	s19 =	sand.u32 @!p0 $0x7FF00000, s19  }
0x13: {  	s20 =	sand.u32 @!p0 $0x3, s20;
	s22 =	sadd.s32 @!p1 $0x5, s21;
	s29 =	sor.u32 s23, s24  }
0x14: {  	s23 =	sor.u32 @!p0 s4, s23;
	s26 =	sshll.u32 s21, $0x8;
	s30 =	sshll.u32 s21, $0xE  }
0x15: {  	s21 =	sadd.s32 $0x1, s21;
	s24 =	sadd.s32 @!p0 $0x1, s20;
	_ =	swait.ge @!p1 [sflag:s22], $0x4000  }
0x16: {  	s23 =	sshll.u32 @!p0 s23, $0x6;
	[sflag:s22] =	ssyncset.done @!p1 $0x0;
	s25 =	rddreg [dreg:$0x3]  }
0x17: {  	s19 =	sor.u32 @!p0 s19, s23;
	[sflag:s22] =	ssyncadd.s32 @!p1 $0xFFFFC000;
	s22 =	sshrl.u32 s29, $0x3  }
0x18: {  	s23 =	sadd.s32 @!p0 $0x5, s20;
	s20 =	sshll.u32 @!p0 s20, $0xE;
	s22 =	sadd.s32 s25, s22  }
0x19: {  	[tilespmem:s26], [sflag:$0x9] =	stream.linear.gather [hbm4b:s22+s3], $0x100, $0x38;
	[tilespmem:$0x10400] =	vst v63  }
0x1a: {  	s29 =	sor.u32 $0x400, s30;
	s25 =	sor.u32 @!p0 $0x400, s20;
	_ =	swait.ge [sflag:s8], $0x100  }
0x1b: {  	s20 =	simm.s32 $0x2000;
	[sflag:s8] =	ssyncset.done $0x0;
	s31 =	rddreg [dreg:$0x4]  }
0x1c: {  	s22 =	sshrl.u32 @!p0 s19, $0x3;
	s28 =	rddreg [dreg:$0x5];
	[sflag:s8] =	ssyncadd.s32 $0xFFFFFF00  }
0x1d: {  	[tilespmem:s29], [sflag:s21] =	stream.indirect.gather [hbm4b:s31+s28], $0x40, s26, s28, $0xb8;
	[tilespmem:$0x10400] =	vst v63  }
0x1e: {  	s19 =	simm.s32 $0x100;
	s22 =	sadd.s32 @!p0 s1, s22;
	_ =	swait.ge @!p0 [sflag:s24], $0x4000  }
0x1f: {  	s26 =	simm.s32 @!p0 $0x0;
	s21 =	simm.s32 $0xFFF80000;
	[sflag:s24] =	ssyncset.done @!p0 $0x0  }
.LBB2_2:
0x20: {  	s28 =	sadd.s32 $0x2, s18  }
0x21: {  	[sflag:s24] =	ssyncadd.s32 @!p0 $0xFFFFC000;
	s24 =	smov.u32 s18;
	s18 =	sadd.s32 $0x1, s18  }
0x22: {  	[hbm4b:s22+s26] =	stream.linear.scatter @!p0 [tilespmem:s25], [sflag:s23], $0x4000, $0x38;
	[tilespmem:$0x10400] =	vst v63  }
0x23: {  	s30 =	sand.u32 $0xFC000, s20;
	s20 =	sadd.s32 $0x2000, s20;
	s23 =	sand.u32 $0x3, s28  }
0x24: {  	p2 =	slt.u32 s28, $0x4;
	p1 =	sne.s32 s18, $0x62;
	p0 =	slt.u32 s28, $0x2  }
0x25: {  	s26 =	sand.u32 $0x100, s19;
	s28 =	sor.u32 s30, s4;
	s19 =	sadd.s32 $0x100, s19  }
0x26: {  	s22 =	sadd.s32 @!p2 $0x5, s23;
	s25 =	sshll.u32 s23, $0xE;
	s31 =	sor.u32 s26, s28  }
0x27: {  	s26 =	sor.u32 @!p0 s4, s26;
	s28 =	sand.u32 @!p0 $0x7FF00000, s21;
	s30 =	sshll.u32 s23, $0x8  }
0x28: {  	s21 =	sadd.s32 $0x80000, s21;
	_ =	swait.ge @!p2 [sflag:s22], $0x4000;
	s26 =	sshll.u32 @!p0 s26, $0x6  }
0x29: {  	s25 =	sor.u32 $0x400, s25;
	[sflag:s22] =	ssyncset.done @!p2 $0x0;
	s29 =	rddreg [dreg:$0x3]  }
0x2a: {  	s26 =	sor.u32 @!p0 s28, s26;
	[sflag:s22] =	ssyncadd.s32 @!p2 $0xFFFFC000;
	s22 =	sshrl.u32 s31, $0x3  }
0x2b: {  	s31 =	sadd.s32 $0x1, s23;
	s22 =	sadd.s32 s29, s22;
	s29 =	sand.u32 @!p0 $0x3, s24  }
0x2c: {  	[tilespmem:s30], [sflag:$0x9] =	stream.linear.gather [hbm4b:s22+s3], $0x100, $0x38;
	[tilespmem:$0x10400] =	vst v63  }
0x2d: {  	s22 =	sshrl.u32 @!p0 s26, $0x3;
	s24 =	sadd.s32 @!p0 $0x1, s29;
	_ =	swait.ge [sflag:s8], $0x100  }
.Ltmp0:
0x2e: {  	[sflag:s8] =	ssyncset.done $0x0;
	s26 =	rddreg [dreg:$0x4];
	(pc) =	sbr.rel @p1 .LBB2_2-.Ltmp0, $4  }
0x2f: {  	s23 =	sadd.s32 @!p0 $0x5, s29;
	s28 =	rddreg [dreg:$0x5];
	[sflag:s8] =	ssyncadd.s32 $0xFFFFFF00  }
0x30: {  	[tilespmem:s25], [sflag:s31] =	stream.indirect.gather [hbm4b:s26+s28], $0x40, s30, s28, $0xb8;
	[tilespmem:$0x10400] =	vst v63  }
0x31: {  	s29 =	sshll.u32 @!p0 s29, $0xE;
	s22 =	sadd.s32 @!p0 s1, s22;
	_ =	swait.ge @!p0 [sflag:s24], $0x4000  }
0x32: {  	s25 =	sor.u32 @!p0 $0x400, s29;
	s26 =	simm.s32 @!p0 $0x0;
	[sflag:s24] =	ssyncset.done @!p0 $0x0  }
0x33: {  	[sflag:s24] =	ssyncadd.s32 @!p0 $0xFFFFC000  }
0x34: {  	[hbm4b:s22+s26] =	stream.linear.scatter @!p0 [tilespmem:s25], [sflag:s23], $0x4000, $0x38;
	[tilespmem:$0x10400] =	vst v63  }
0x35: {  	_ =	swait.ge [sflag:s9], $0x4000  }
0x36: {  	[sflag:s9] =	ssyncset.done $0x0  }
0x37: {  	[sflag:s9] =	ssyncadd.s32 $0xFFFFC000  }
0x38: {  	[hbm4b:s5+s3] =	stream.linear.scatter [tilespmem:s10], [sflag:$0x7], $0x4000, $0x38;
	[tilespmem:$0x10400] =	vst v63  }
0x39: {  	_ =	swait.ge [sflag:s11], $0x4000  }
0x3a: {  	[sflag:s11] =	ssyncset.done $0x0  }
0x3b: {  	[sflag:s11] =	ssyncadd.s32 $0xFFFFC000  }
0x3c: {  	[hbm4b:s6+s3] =	stream.linear.scatter [tilespmem:s12], [sflag:$0x8], $0x4000, $0x38;
	[tilespmem:$0x10400] =	vst v63  }
0x3d: {  	_ =	swait.ge [sflag:s13], $0x4000  }
0x3e: {  	[sflag:s13] =	ssyncset.done $0x0  }
0x3f: {  	[sflag:s13] =	ssyncadd.s32 $0xFFFFC000  }
0x40: {  	_ =	swait.ge [sflag:s14], $0x4000  }
0x41: {  	[sflag:s14] =	ssyncset.done $0x0  }
0x42: {  	s17 =	sadd.s32 $0x1, s17;
	[sflag:s14] =	ssyncadd.s32 $0xFFFFC000  }
0x43: {  	p0 =	sne.s32 s17, s7;
	_ =	swait.ge [sflag:s15], $0x4000  }
.Ltmp1:
0x44: {  	[sflag:s15] =	ssyncset.done $0x0;
	(pc) =	sbr.rel @p0 .LBB2_1-.Ltmp1, $4  }
0x45: {  	[sflag:s15] =	ssyncadd.s32 $0xFFFFC000  }
0x46: {  	_ =	swait.ge [sflag:s16], $0x4000  }
0x47: {  	[sflag:s16] =	ssyncset.done $0x0  }
0x48: {  	[sflag:s16] =	ssyncadd.s32 $0xFFFFC000  }
0x49: {  	_ =	sfence.sel $0x180000  }
0x4a: {  	[bflag:$0x0] =	sbarrier.arrive $0xFFFF  }
0x4b: {  	p0 =	sne.s32 s2, $0x0;
	_ =	strace $0x90000047  }
0x4c: {  	s0 =	sadd.s32 @!p0 $0x100000, s0;
	[bflag:$0x2] =	sbarrier.arrive $0xFFFF  }
0x4d: {  	[sflag:s0] =	ssyncadd.tile.s32 @!p0 $0x1;
	_ =	shalt  }
.Lfunc_end2:
_tile_overlayer_lowered:
.L_overlay_start_2:
0x4e: {  	(tag) =	ssettag $0x2  }
0x4f: {  	s0 =	rddreg [dreg:$0x0];
	s2 =	stileid.u32  }
0x50: {  	s1 =	rddreg [dreg:$0x1];
	p0 =	sne.s32 s2, $0x0  }
0x51: {  	s3 =	rddreg [dreg:$0x2];
	[bflag:$0x3] =	sbarrier.arrive $0xFFFF;
	s2 =	simm.s32 @!p0 $0x1C09  }
0x52: {  	[timem:s3], [sflag:s2] =	dma.local @!p0 [hbm:s0], s1  }
0x53: {  	s0 =	simm.s32 @!p0 $0x9  }
0x54: {  	_ =	swait.ge @!p0 [sflag:s0], s1  }
0x55: {  	s1 =	ssub.s32 @!p0 $0x0, s1;
	[sflag:s0] =	ssyncset.done @!p0 $0x0  }
0x56: {  	[sflag:s0] =	ssyncadd.s32 @!p0 s1  }
0x57: {  	[bflag:$0x3] =	sbarrier.arrive $0xFFFF  }
0x58: {  	_ =	shalt  }

// kernel: sparse-core-data-format-call.cloned.1.call-start
scs
called_computation_lowered:
.L_overlay_start_0:
0x0: {  	s2 =	sld [smem:$0x3FD9]  }
0x1: {  	s3 =	sld [smem:$0x3FFE];
	_ =	sdelay $0x1  }
0x2: {  	s1 =	srdreg.scid  }
0x3: {  	s0 =	sand.u32 $0x1, s1  }
0x4: {  	s18 =	sshll.u32 s0, $0xA;
	s2 =	sadd.s32 s3, s2  }
0x5: {  	s2 =	sadd.s32 s2, s18  }
0x6: {  	[smem:$0x3FC6] =	sst s2  }
0x7: {  	_ = 	snop  }
0x8: {  	s2 =	sld [smem:$0x3FD0];
	(tm) =	ssettm $0x1  }
0x9: {  	s19 =	sld [smem:$0x3FFB];
	_ =	sdelay $0x3  }
0xa: {  	_ =	strace s19  }
0xb: {  	s3 =	sld [smem:$0x3FFC];
	_ =	sdelay $0x3  }
0xc: {  	_ =	strace s3  }
0xd: {  	s3 =	sld [smem:$0x3FFD];
	_ =	sdelay $0x3  }
0xe: {  	_ =	strace s3  }
0xf: {  	_ =	strace $0x8FFFFFFF  }
0x10: {  	s20 =	sld [smem:$0x3FDB];
	_ =	sdelay $0x1  }
0x11: {  	s4 =	simm.s32 $_scs_section_size  }
0x12: {  	s5 =	simm.s32 $_size__tile_overlayer_lowered;
	s6 =	simm.s32 $_tile_overlayer_lowered  }
0x13: {  	s23 =	simm.s32 $0x1BFF;
	s22 =	sshll.u32 s6, $0x1;
	s3 =	sadd.s32 s4, s20  }
0x14: {  	s7 =	simm.s32 $0x0;
	s21 =	sshll.u32 s5, $0x1;
	s5 =	sadd.s32 s22, s3  }
0x15: {  	[timem:s7], [sflag:s23] =	dma.local [hbm:s5], s21  }
0x16: {  	_ =	swait.ge [sflag:s23], s21  }
0x17: {  	s4 =	ssub.s32 $0x0, s21;
	[sflag:s23] =	ssyncset.done $0x0  }
0x18: {  	[sflag:s23] =	ssyncadd.s32 s4;
	_ =	sdelay $0x1  }
0x19: {  	s24 =	simm.s32 $0x1B8B  }
0x1a: {  	_ =	swait.ge [sflag:s24], $0x1  }
0x1b: {  	[sflag:s24] =	ssyncset.done $0x0  }
0x1c: {  	s26 =	simm.s32 $0x1B8E;
	s25 =	sld [smem:$0x3FFE];
	[sflag:s24] =	ssyncadd.s32 $0xFFFFFFFF  }
0x1d: {  	s27 =	simm.s32 $execute0_lowered;
	[smem:$0x3FD2] =	sst s26  }
0x1e: {  	s5 =	sshll.u32 s27, $0x1;
	_ =	strace $0x80000049;
	[dreg:$0x1] =	wrdreg $0xFFFFFFFF  }
0x1f: {  	s28 =	simm.s32 $_size_execute0_lowered;
	s3 =	sadd.s32 s3, s5;
	[dreg:$0x0] =	wrdreg $0x0  }
0x20: {  	s5 =	sshll.u32 s28, $0x1;
	[dreg:$0x2] =	wrdreg s3  }
0x21: {  	[dreg:$0x3] =	wrdreg s5  }
0x22: {  	[dreg:$0x4] =	wrdreg $0xC0  }
0x23: {  	_ =	task [dreg:s7], $0x5FFFF  }
0x24: {  	[dreg:$0x1] =	wrdreg $0xFFFFFFFF  }
0x25: {  	[dreg:$0x0] =	wrdreg $0x60  }
0x26: {  	[dreg:$0x2] =	wrdreg s25  }
0x27: {  	[dreg:$0x3] =	wrdreg s2  }
0x28: {  	[dreg:$0x4] =	wrdreg $0x9  }
0x29: {  	_ =	task.clear_ibuf [dreg:s7], $0x5FFFF;
	_ =	strace $0x90000049  }
0x2a: {  	s29 =	simm.s32 $0x9;
	_ =	strace $0x8000004B  }
0x2b: {  	_ =	swait.ge [sflag:s29], $0x1  }
0x2c: {  	[sflag:s29] =	ssyncadd.s32 $0xFFFFFFFF  }
0x2d: {  	_ =	strace $0x9000004B  }
0x2e: {  	_ =	sfence  }
0x2f: {  	s30 =	sld [smem:$0x0];
	_ =	sdelay $0x2  }
0x30: {  	s31 =	sshll.u32 s1, $0xD;
	s1 =	sshrl.u32 s1, $0x2  }
0x31: {  	s3 =	sand.u32 $0x4000, s31;
	s1 =	sadd.s32 s1, s30  }
0x32: {  	s0 =	sor.u32 s3, s0;
	s1 =	sshll.u32 s1, $0x11  }
0x33: {  	s0 =	sor.u32 s1, s0  }
0x34: {  	s0 =	sadd.s32 $0x8F2B, s0  }
0x35: {  	[sflag:s0] =	ssyncadd.remote.s32 $0x1  }
0x36: {  	_ =	sfence.sel $0xFFFF  }
0x37: {  	[dreg:$0x0] =	wrdreg $0xFFFFFFFF;
	(pc) =	sbr.abs _section_cstart, $3  }
0x38: {  	[dreg:$0x1] =	wrdreg $0xFFFFFFFF  }
0x39: {  	_ =	task.clear_ibuf [dreg:s7], $0x2FFFF;
	_ =	strace $0x9FFFFFFF  }
0x3a: {  	(tm) =	ssettm $0x7FFFFFFF  }
0x3b: {  	_ =	shalt  }
tec
execute0_lowered:
.L_overlay_start_1:
0x0: {  	(tag) =	ssettag $0x1  }
0x1: {  	s0 =	srdreg.scid  }
0x2: {  	s1 =	sshll.u32 s0, $0x4  }
0x3: {  	s0 =	stileid.u32;
	s1 =	sand.u32 $0x10, s1  }
0x4: {  	s7 =	rddreg [dreg:$0x0];
	s1 =	sor.u32 s0, s1  }
0x5: {  	s4 =	simm.s32 $0x1;
	s8 =	simm.s32 $0x2;
	s2 =	sshll.u32 s1, $0x7  }
0x6: {  	s13 =	simm.s32 $0x0;
	s9 =	simm.s32 $0x20000;
	s1 =	ssub.s32 $0x4000, s2  }
0x7: {  	s14 =	simm.s32 $0x0;
	s11 =	simm.s32 $0x0;
	s3 =	sand.u32 $0xF80, s1  }
0x8: {  	s12 =	simm.s32 $0x0;
	s5 =	sshrl.u32 s1, $0xC;
	p0 =	sne.s32 s3, $0x0  }
.Ltmp0:
0x9: {  	s1 =	rddreg [dreg:$0x2];
	s4 =	simm.s32 @!p0 $0x0;
	(pc) =	sbr.rel .LBB1_1-.Ltmp0, $4  }
0xa: {  	s6 =	sadd.s32 $0x800, s7;
	s3 =	rddreg [dreg:$0x1];
	s5 =	sadd.s32 s4, s5  }
0xb: {  	_ =	strace $0x8000004A;
	s4 =	simm.s32 $0x1;
	s5 =	smul.u32 $0x19, s5  }
0xc: {  	s7 =	sadd.s32 $0x40800, s7;
	s10 =	smov.u32 s2;
	[sflag:s4] =	ssyncpa.u1 $0x0  }
0xd: {  	p0 =	por $0x0, $0x0;
	[sflag:s8] =	ssyncpa.u1 $0x0;
	s8 =	sadd.s32 $0x1, s5  }
.LBB1_7:
0xe: {  	s15 =	sadd.s32 $0x1000, s10  }
0xf: {  	s13 =	sadd.s32 $0x2, s11;
	s17 =	smov.u32 s11;
	p2 =	sgt.s32 s15, $0x3FFF  }
0x10: {  	s17 =	smov.u32 @p2 s13  }
0x11: {  	s15 =	smov.u32 @p2 s2;
	p2 =	sgt.s32 s17, $0x31  }
0x12: {  	s17 =	simm.s32 @p2 $0x0;
	p2 =	sne.s32 s12, s8  }
.Ltmp1:
0x13: {  	p1 =	slt.u32 s12, $0x2;
	(pc) =	sbr.rel @!p2 .LBB1_8-.Ltmp1, $4  }
0x14: {  	s16 =	simm.s32 @!p1 $0x2  }
0x15: {  	s14 =	smov.u32 s11;
	p0 =	por !p0, !p0;
	_ =	swait.ge @!p1 [sflag:s16], $0x4000  }
0x16: {  	s13 =	smov.u32 s10;
	[sflag:s16] =	ssyncset.done @!p1 $0x0;
	s10 =	smov.u32 s15  }
0x17: {  	s12 =	sadd.s32 $0x1, s12;
	[sflag:s16] =	ssyncadd.s32 @!p1 $0xFFFFC000;
	s11 =	smov.u32 s17  }
.LBB1_1:
0x18: {  	p1 =	sge.u32 s12, s5  }
0x19: {  	s15 =	sxor.u32 @!p1 $0xFFFFFFFF, s12;
	s16 =	sshll.u32 @!p1 s11, $0x12  }
0x1a: {  	s17 =	sshll.u32 @!p1 s10, $0x4;
	s19 =	simm.s32 @!p1 $0x40;
	s20 =	simm.s32 @!p1 $0x80  }
0x1b: {  	s15 =	sshll.u32 @!p1 s15, $0xE;
	s17 =	sand.u32 @!p1 $0x3FFF0, s17;
	s18 =	sadd.s32 @!p1 s6, s16  }
0x1c: {  	s16 =	sadd.s32 @!p1 s16, s7;
	s15 =	sand.u32 @!p1 $0x4000, s15;
	s18 =	sadd.s32 @!p1 s17, s18  }
0x1d: {  	[tilespmem:s15], [sflag:$0x1] =	stream.strided.gather @!p1 [hbm4b:s18+s19], $0x2000, s20, s19, $0x38;
	[tilespmem:$0x10100] =	vst v63  }
0x1e: {  	s31 =	sadd.s32 $0xFFFFFFFF, s12;
	s16 =	sadd.s32 @!p1 s17, s16;
	s15 =	sor.u32 @!p1 $0x2000, s15  }
0x1f: {  	[tilespmem:s15], [sflag:$0x1] =	stream.strided.gather @!p1 [hbm4b:s16+s19], $0x2000, s20, s19, $0x38;
	[tilespmem:$0x10100] =	vst v63  }
0x20: {  	p1 =	sge.u32 s31, s5  }
.Ltmp2:
0x21: {  	_ = 	snop;
	(pc) =	sbr.rel @p1 .LBB1_7-.Ltmp2, $1  }
0x22: {  	_ =	sdelay $0x3  }
0x23: {  	s15 =	simm.s32 $0x1;
	s17 =	sand.u32 $0x1, s12  }
0x24: {  	_ =	swait.ge [sflag:s4], $0x4000;
	s15 =	simm.s32 @!p0 $0x0;
	s17 =	smul.u32 $0x10200, s17  }
0x25: {  	p2 =	por $0x1, $0x1;
	[sflag:s4] =	ssyncset.done $0x0;
	s16 =	smul.u32 $0x10200, s15  }
0x26: {  	s18 =	sshll.u32 s15, $0x10;
	[sflag:s4] =	ssyncadd.s32 $0xFFFFC000;
	s30 =	sshrl.u32 s17, $0x2  }
0x27: {  	s31 =	sshrl.u32 s18, $0x2;
	s18 =	simm.s32 $0x0;
	s16 =	sshrl.u32 s16, $0x2  }
0x28: {  	s15 =	sor.u32 $0x8000, s30;
	s17 =	sadd.s32 $0x20, s31;
	s16 =	sor.u32 $0x8000, s16  }
.LBB1_3:
0x29: {  	s19 =	sshll.u32 s18, $0xD  }
0x2a: {  	s19 =	sand.u32 $0x3FFFE000, s19  }
0x2b: {  	s21 =	sadd.s32 s19, s17  }
0x2c: {  	s31 =	smul.u32 $0x8100, s18;
	v3 =	vld [tilespmem:s21+$0x10]  }
0x2d: {  	v1 =	vld [tilespmem:s21+$0xFFFFFFF0]  }
0x2e: {  	s18 =	sshra.s32 s31, $0x2;
	v0 =	vld [tilespmem:s21+$0x0]  }
0x2f: {  	s18 =	sadd.s32 s18, s16;
	v2 =	vld [tilespmem:s21+$0xFFFFFFE0]  }
0x30: {  	s19 =	sadd.s32 $0x0, s18  }
0x31: {  	p1 =	por p2, p2;
	s20 =	simm.s32 $0x4;
	s21 =	sadd.s32 $0x40, s21;
	[tilespmem:s19+$0x1830 ss:$0x81] =	vst.msk $0xffff, v3  }
.LBB1_4:
0x32: {  	v3 =	vld [tilespmem:s21+$0x10];
	p2 =	sne.s32 s20, $0x1FC;
	[tilespmem:s19+$0x810 ss:$0x81] =	vst.msk $0xffff, v1;
	s22 =	smov.u32 s20;
	s20 =	sadd.s32 $0x4, s20  }
.Ltmp3:
0x33: {  	v1 =	vld [tilespmem:s21+$0xFFFFFFF0];
	[tilespmem:s19+$0x1020 ss:$0x81] =	vst.msk $0xffff, v0;
	(pc) =	sbr.rel @p2 .LBB1_4-.Ltmp3, $4  }
0x34: {  	v0 =	vld [tilespmem:s21+$0x0];
	[tilespmem:s19+$0x0 ss:$0x81] =	vst.msk $0xffff, v2  }
0x35: {  	s19 =	sshra.s32 s22, $0x2;
	v2 =	vld [tilespmem:s21+$0xFFFFFFE0]  }
0x36: {  	s19 =	sadd.s32 s19, s18  }
0x37: {  	s21 =	sadd.s32 $0x40, s21;
	[tilespmem:s19+$0x1830 ss:$0x81] =	vst.msk $0xffff, v3  }
.Ltmp4:
0x38: {  	(pc) =	sbr.rel @p1 .LBB1_3-.Ltmp4, $4  }
0x39: {  	_ = 	snop  }
0x3a: {  	[tilespmem:s19+$0x810 ss:$0x81] =	vst.msk $0xffff, v1  }
0x3b: {  	[tilespmem:s19+$0x1020 ss:$0x81] =	vst.msk $0xffff, v0  }
0x3c: {  	s18 =	simm.s32 $0x1;
	p2 =	por $0x0, $0x0;
	[tilespmem:s19+$0x0 ss:$0x81] =	vst.msk $0xffff, v2  }
0x3d: {  	s16 =	sshll.u32 s13, $0x3;
	s17 =	sand.u32 $0x78, s13;
	s14 =	sshll.u32 s14, $0x11  }
.Ltmp5:
0x3e: {  	s30 =	sand.u32 $0x1F800, s13;
	s16 =	sand.u32 $0x3C00, s16;
	(pc) =	sbr.rel .LBB1_7-.Ltmp5, $4  }
0x3f: {  	s31 =	sand.u32 $0x7, s13;
	s14 =	sadd.s32 s3, s14;
	s16 =	sor.u32 s17, s16  }
0x40: {  	s13 =	sshll.u32 s31, $0x12;
	s14 =	sadd.s32 s30, s14;
	s16 =	sshrl.u32 s16, $0x3  }
0x41: {  	s13 =	sor.u32 $0x400, s13;
	s14 =	sadd.s32 s16, s14  }
0x42: {  	[hbm4b:s14+s13] =	stream.strided.scatter [tilespmem:s15], [sflag:$0x2], $0x4000, s9, s13, $0x20;
	[tilespmem:$0x10100] =	vst v63  }
.LBB1_8:
0x43: {  	_ =	sfence.sel $0x180000  }
0x44: {  	s2 =	simm.s32 $0x1;
	[bflag:$0x0] =	sbarrier.arrive $0xFFFF  }
0x45: {  	s31 =	simm.s32 $0x2;
	[sflag:s2] =	ssyncpa.u1 $0x1  }
0x46: {  	[sflag:s31] =	ssyncpa.u1 $0x1  }
0x47: {  	p0 =	sne.s32 s0, $0x0;
	_ =	strace $0x9000004A  }
0x48: {  	s0 =	sadd.s32 @!p0 $0x100000, s1;
	[bflag:$0x2] =	sbarrier.arrive $0xFFFF  }
0x49: {  	[sflag:s0] =	ssyncadd.tile.s32 @!p0 $0x1;
	_ =	shalt  }
.Lfunc_end1:
_tile_overlayer_lowered:
.L_overlay_start_2:
0x4a: {  	(tag) =	ssettag $0x2  }
0x4b: {  	s0 =	rddreg [dreg:$0x0];
	s2 =	stileid.u32  }
0x4c: {  	s1 =	rddreg [dreg:$0x1];
	p0 =	sne.s32 s2, $0x0  }
0x4d: {  	s3 =	rddreg [dreg:$0x2];
	[bflag:$0x3] =	sbarrier.arrive $0xFFFF;
	s2 =	simm.s32 @!p0 $0x1C01  }
0x4e: {  	[timem:s3], [sflag:s2] =	dma.local @!p0 [hbm:s0], s1  }
0x4f: {  	s0 =	simm.s32 @!p0 $0x1  }
0x50: {  	_ =	swait.ge @!p0 [sflag:s0], s1  }
0x51: {  	s1 =	ssub.s32 @!p0 $0x0, s1;
	[sflag:s0] =	ssyncset.done @!p0 $0x0  }
0x52: {  	[sflag:s0] =	ssyncadd.s32 @!p0 s1  }
0x53: {  	[bflag:$0x3] =	sbarrier.arrive $0xFFFF  }
0x54: {  	_ =	shalt  }

</sc_bundles>
